<compile_context>
chip_gen: v7x
topology: tpu7x:2x2x1
jax: 0.10.2.dev20260603
libtpu: 0.0.44.dev20260713+nightly
codegen_flags: <defaults>
</compile_context>

<pallas_src>
import jax
import jax.numpy as jnp
from jax import lax
from jax.experimental import pallas as pl
from jax.experimental.pallas import tpu as pltpu, tpu_sc as plsc

_CHUNK_ROWS = 6272
_DEPTH = 4
_LOOK = 2

_NC, _NS = 2, 16
_NW = _NC * _NS
_SC_CHUNK = 168

_TC_ROWS = 62720
_SC_ROWS = 37632


def _tc_body(in_hbm, out_hbm, bufs, isems, osems):
    n = _TC_ROWS // _CHUNK_ROWS

    def region(ref, i):
        return ref.at[pl.ds(i * _CHUNK_ROWS, _CHUNK_ROWS)]

    def in_copy(j, s):
        return pltpu.make_async_copy(region(in_hbm, j), bufs.at[s], isems.at[s])

    def out_copy(i, s):
        return pltpu.make_async_copy(bufs.at[s], region(out_hbm, i), osems.at[s])

    for j in range(_LOOK):
        in_copy(j, j % _DEPTH).start()
    for i in range(n):
        s = i % _DEPTH
        in_copy(i, s).wait()
        out_copy(i, s).start()
        j = i + _LOOK
        if j < n:
            sj = j % _DEPTH
            if j >= _DEPTH:
                out_copy(j - _DEPTH, sj).wait()
            in_copy(j, sj).start()
    for k in range(max(n - _DEPTH, 0), n):
        out_copy(k, k % _DEPTH).wait()


def _sc_body(in_hbm, out_hbm, buf0, buf1, isem0, isem1, osem0, osem1):
    cid = lax.axis_index("c")
    sid = lax.axis_index("s")
    wid = sid * _NC + cid
    rows_per_w = _SC_ROWS // _NW
    n = rows_per_w // _SC_CHUNK
    base = _TC_ROWS + wid * rows_per_w
    bufs = (buf0, buf1)
    isems = (isem0, isem1)
    osems = (osem0, osem1)

    def region(ref, i):
        return ref.at[pl.ds(base + i * _SC_CHUNK, _SC_CHUNK)]

    copies_in = [None, None]
    copies_out = [None, None]
    copies_in[0] = pltpu.async_copy(region(in_hbm, 0), bufs[0], isems[0])
    for i in range(n):
        s = i % 2
        o = (i + 1) % 2
        if i + 1 < n:
            if i >= 1:
                copies_out[o].wait()
            copies_in[o] = pltpu.async_copy(region(in_hbm, i + 1),
                                            bufs[o], isems[o])
        copies_in[s].wait()
        copies_out[s] = pltpu.async_copy(bufs[s], region(out_hbm, i),
                                         osems[s])
    copies_out[(n - 1) % 2].wait()
    if n >= 2:
        copies_out[n % 2].wait()


def kernel(input):
    b, c, h, w = input.shape
    flat = jnp.transpose(input, (0, 2, 3, 1)).reshape(b * h * w, c)

    mesh = plsc.VectorSubcoreMesh(core_axis_name="c", subcore_axis_name="s",
                                  num_cores=_NC, num_subcores=_NS)
    sc_run = pl.kernel(
        _sc_body,
        out_type=jax.ShapeDtypeStruct(flat.shape, flat.dtype),
        mesh=mesh,
        scratch_types=[
            pltpu.VMEM((_SC_CHUNK, c), flat.dtype),
            pltpu.VMEM((_SC_CHUNK, c), flat.dtype),
            pltpu.SemaphoreType.DMA,
            pltpu.SemaphoreType.DMA,
            pltpu.SemaphoreType.DMA,
            pltpu.SemaphoreType.DMA,
        ],
        compiler_params=pltpu.CompilerParams(use_tc_tiling_on_sc=True),
    )
    sc_out = sc_run(flat)

    tc_out = pl.pallas_call(
        _tc_body,
        out_shape=jax.ShapeDtypeStruct(flat.shape, flat.dtype),
        in_specs=[pl.BlockSpec(memory_space=pl.ANY)],
        out_specs=pl.BlockSpec(memory_space=pl.ANY),
        scratch_shapes=[
            pltpu.VMEM((_DEPTH, _CHUNK_ROWS, c), flat.dtype),
            pltpu.SemaphoreType.DMA((_DEPTH,)),
            pltpu.SemaphoreType.DMA((_DEPTH,)),
        ],
    )(flat)
    return tc_out, sc_out

# --- scband reference (transcript-rebuilt; emitter-appended) ---
"""Pipeline reference for scband-delay-20813411516725 (READ-ONLY COPY).

The authoritative reference and input builder live on the scoring server;
editing this copy changes nothing except your own understanding.
"""

import jax, jax.numpy as jnp
import numpy as np

DELAY = 3

def setup_inputs(seed: int = 0) -> dict:
    key = jax.random.key(seed)
    x = jax.random.normal(key, (8, 256, 112, 112), dtype=jnp.float32)
    return {"input": x}

def reference(input):
    # Delay module, first invocation with no prior state.
    # temporal_fill='replicate' -> make_padding = clone(input)
    padding = input
    # init_state: stack `delay` copies of padding along dim 0
    buffer = jnp.stack([padding for _ in range(DELAY)], axis=0)
    index = 0
    # _forward: read delayed slot, then scatter-overwrite current input into ring buffer
    output = buffer[index]
    buffer = buffer.at[index].set(input)
    new_index = (index + 1) % DELAY
    # forward returns only the delayed output (state kept internally)
    return output

if __name__ == "__main__":
    import jax
    _d = setup_inputs()
    print(jax.jit(kernel)(*tuple(_d.values())))

</pallas_src>

<mosaic_0001>
#map = affine_map<(d0, d1) -> (0, 0)>
module attributes {stable_mosaic.version = 14 : i64} {
  func.func @_sc_body(%arg0: i32, %arg1: i32, %arg2: memref<100352x256xf32, #tpu.memory_space<hbm>>, %arg3: memref<100352x256xf32, #tpu.memory_space<hbm>>, %arg4: memref<168x256xf32, #tpu.memory_space<vmem>>, %arg5: memref<168x256xf32, #tpu.memory_space<vmem>>, %arg6: memref<!tpu.dma_semaphore, #tpu.memory_space<semaphore_mem>>, %arg7: memref<!tpu.dma_semaphore, #tpu.memory_space<semaphore_mem>>, %arg8: memref<!tpu.dma_semaphore, #tpu.memory_space<semaphore_mem>>, %arg9: memref<!tpu.dma_semaphore, #tpu.memory_space<semaphore_mem>>) attributes {dimension_semantics = [#tpu.dimension_semantics<core_parallel>, #tpu.dimension_semantics<subcore_parallel>], iteration_bounds = array<i64: 2, 16>, scalar_prefetch = 0 : i64, scratch_operands = 6 : i64, tpu.core_type = #tpu.core_type<sc_vector_subcore>, window_params = [{transform_indices = #map}, {transform_indices = #map}]} {
    %mul3A = arith.constant 2 : i32
    %mul3A_0 = arith.muli %arg1, %mul3A : i32
    %add3A = arith.addi %mul3A_0, %arg0 : i32
    %mul3A_1 = arith.constant 1176 : i32
    %mul3A_2 = arith.muli %add3A, %mul3A_1 : i32
    %add3A_3 = arith.constant 62720 : i32
    %add3A_4 = arith.addi %add3A_3, %mul3A_2 : i32
    %add3A_5 = arith.constant 0 : i32
    %add3A_6 = arith.addi %add3A_4, %add3A_5 : i32
    %dma_start3A = arith.constant 0 : i32
    %dma_start3A_7 = tpu.memref_slice %arg2[%add3A_6, %dma_start3A] : memref<100352x256xf32, #tpu.memory_space<hbm>> -> memref<168x256xf32, #tpu.memory_space<hbm>>
    %dma_start3A_8 = arith.constant 0 : i32
    %dma_start3A_9 = tpu.memref_slice %arg2[%add3A_6, %dma_start3A_8] : memref<100352x256xf32, #tpu.memory_space<hbm>> -> memref<168x256xf32, #tpu.memory_space<hbm>>
    tpu.enqueue_dma source(%dma_start3A_9 : memref<168x256xf32, #tpu.memory_space<hbm>>) target(%arg4 : memref<168x256xf32, #tpu.memory_space<vmem>>) target_semaphore(%arg6 : memref<!tpu.dma_semaphore, #tpu.memory_space<semaphore_mem>>)
    %add3A_10 = arith.constant 168 : i32
    %add3A_11 = arith.addi %add3A_4, %add3A_10 : i32
    %dma_start3A_12 = arith.constant 0 : i32
    %dma_start3A_13 = tpu.memref_slice %arg2[%add3A_11, %dma_start3A_12] : memref<100352x256xf32, #tpu.memory_space<hbm>> -> memref<168x256xf32, #tpu.memory_space<hbm>>
    %dma_start3A_14 = arith.constant 0 : i32
    %dma_start3A_15 = tpu.memref_slice %arg2[%add3A_11, %dma_start3A_14] : memref<100352x256xf32, #tpu.memory_space<hbm>> -> memref<168x256xf32, #tpu.memory_space<hbm>>
    tpu.enqueue_dma source(%dma_start3A_15 : memref<168x256xf32, #tpu.memory_space<hbm>>) target(%arg5 : memref<168x256xf32, #tpu.memory_space<vmem>>) target_semaphore(%arg7 : memref<!tpu.dma_semaphore, #tpu.memory_space<semaphore_mem>>)
    %dma_wait3A = arith.constant 0 : i32
    %dma_wait3A_16 = tpu.memref_slice %arg2[%add3A_6, %dma_wait3A] : memref<100352x256xf32, #tpu.memory_space<hbm>> -> memref<168x256xf32, #tpu.memory_space<hbm>>
    %dma_wait3A_17 = arith.constant 0 : i32
    %dma_wait3A_18 = tpu.memref_slice %arg2[%add3A_6, %dma_wait3A_17] : memref<100352x256xf32, #tpu.memory_space<hbm>> -> memref<168x256xf32, #tpu.memory_space<hbm>>
    tpu.wait_dma2 semaphore(%arg6 : memref<!tpu.dma_semaphore, #tpu.memory_space<semaphore_mem>>) src(%dma_wait3A_18 : memref<168x256xf32, #tpu.memory_space<hbm>>) dst(%arg4 : memref<168x256xf32, #tpu.memory_space<vmem>>)
    %add3A_19 = arith.constant 0 : i32
    %add3A_20 = arith.addi %add3A_4, %add3A_19 : i32
    %dma_start3A_21 = arith.constant 0 : i32
    %dma_start3A_22 = tpu.memref_slice %arg3[%add3A_20, %dma_start3A_21] : memref<100352x256xf32, #tpu.memory_space<hbm>> -> memref<168x256xf32, #tpu.memory_space<hbm>>
    %dma_start3A_23 = arith.constant 0 : i32
    %dma_start3A_24 = tpu.memref_slice %arg3[%add3A_20, %dma_start3A_23] : memref<100352x256xf32, #tpu.memory_space<hbm>> -> memref<168x256xf32, #tpu.memory_space<hbm>>
    tpu.enqueue_dma source(%arg4 : memref<168x256xf32, #tpu.memory_space<vmem>>) target(%dma_start3A_24 : memref<168x256xf32, #tpu.memory_space<hbm>>) target_semaphore(%arg8 : memref<!tpu.dma_semaphore, #tpu.memory_space<semaphore_mem>>)
    %dma_wait3A_25 = arith.constant 0 : i32
    %dma_wait3A_26 = tpu.memref_slice %arg3[%add3A_20, %dma_wait3A_25] : memref<100352x256xf32, #tpu.memory_space<hbm>> -> memref<168x256xf32, #tpu.memory_space<hbm>>
    %dma_wait3A_27 = arith.constant 0 : i32
    %dma_wait3A_28 = tpu.memref_slice %arg3[%add3A_20, %dma_wait3A_27] : memref<100352x256xf32, #tpu.memory_space<hbm>> -> memref<168x256xf32, #tpu.memory_space<hbm>>
    tpu.wait_dma2 semaphore(%arg8 : memref<!tpu.dma_semaphore, #tpu.memory_space<semaphore_mem>>) src(%arg4 : memref<168x256xf32, #tpu.memory_space<vmem>>) dst(%dma_wait3A_28 : memref<168x256xf32, #tpu.memory_space<hbm>>)
    %add3A_29 = arith.constant 336 : i32
    %add3A_30 = arith.addi %add3A_4, %add3A_29 : i32
    %dma_start3A_31 = arith.constant 0 : i32
    %dma_start3A_32 = tpu.memref_slice %arg2[%add3A_30, %dma_start3A_31] : memref<100352x256xf32, #tpu.memory_space<hbm>> -> memref<168x256xf32, #tpu.memory_space<hbm>>
    %dma_start3A_33 = arith.constant 0 : i32
    %dma_start3A_34 = tpu.memref_slice %arg2[%add3A_30, %dma_start3A_33] : memref<100352x256xf32, #tpu.memory_space<hbm>> -> memref<168x256xf32, #tpu.memory_space<hbm>>
    tpu.enqueue_dma source(%dma_start3A_34 : memref<168x256xf32, #tpu.memory_space<hbm>>) target(%arg4 : memref<168x256xf32, #tpu.memory_space<vmem>>) target_semaphore(%arg6 : memref<!tpu.dma_semaphore, #tpu.memory_space<semaphore_mem>>)
    %dma_wait3A_35 = arith.constant 0 : i32
    %dma_wait3A_36 = tpu.memref_slice %arg2[%add3A_11, %dma_wait3A_35] : memref<100352x256xf32, #tpu.memory_space<hbm>> -> memref<168x256xf32, #tpu.memory_space<hbm>>
    %dma_wait3A_37 = arith.constant 0 : i32
    %dma_wait3A_38 = tpu.memref_slice %arg2[%add3A_11, %dma_wait3A_37] : memref<100352x256xf32, #tpu.memory_space<hbm>> -> memref<168x256xf32, #tpu.memory_space<hbm>>
    tpu.wait_dma2 semaphore(%arg7 : memref<!tpu.dma_semaphore, #tpu.memory_space<semaphore_mem>>) src(%dma_wait3A_38 : memref<168x256xf32, #tpu.memory_space<hbm>>) dst(%arg5 : memref<168x256xf32, #tpu.memory_space<vmem>>)
    %add3A_39 = arith.constant 168 : i32
    %add3A_40 = arith.addi %add3A_4, %add3A_39 : i32
    %dma_start3A_41 = arith.constant 0 : i32
    %dma_start3A_42 = tpu.memref_slice %arg3[%add3A_40, %dma_start3A_41] : memref<100352x256xf32, #tpu.memory_space<hbm>> -> memref<168x256xf32, #tpu.memory_space<hbm>>
    %dma_start3A_43 = arith.constant 0 : i32
    %dma_start3A_44 = tpu.memref_slice %arg3[%add3A_40, %dma_start3A_43] : memref<100352x256xf32, #tpu.memory_space<hbm>> -> memref<168x256xf32, #tpu.memory_space<hbm>>
    tpu.enqueue_dma source(%arg5 : memref<168x256xf32, #tpu.memory_space<vmem>>) target(%dma_start3A_44 : memref<168x256xf32, #tpu.memory_space<hbm>>) target_semaphore(%arg9 : memref<!tpu.dma_semaphore, #tpu.memory_space<semaphore_mem>>)
    %dma_wait3A_45 = arith.constant 0 : i32
    %dma_wait3A_46 = tpu.memref_slice %arg3[%add3A_40, %dma_wait3A_45] : memref<100352x256xf32, #tpu.memory_space<hbm>> -> memref<168x256xf32, #tpu.memory_space<hbm>>
    %dma_wait3A_47 = arith.constant 0 : i32
    %dma_wait3A_48 = tpu.memref_slice %arg3[%add3A_40, %dma_wait3A_47] : memref<100352x256xf32, #tpu.memory_space<hbm>> -> memref<168x256xf32, #tpu.memory_space<hbm>>
    tpu.wait_dma2 semaphore(%arg9 : memref<!tpu.dma_semaphore, #tpu.memory_space<semaphore_mem>>) src(%arg5 : memref<168x256xf32, #tpu.memory_space<vmem>>) dst(%dma_wait3A_48 : memref<168x256xf32, #tpu.memory_space<hbm>>)
    %add3A_49 = arith.constant 504 : i32
    %add3A_50 = arith.addi %add3A_4, %add3A_49 : i32
    %dma_start3A_51 = arith.constant 0 : i32
    %dma_start3A_52 = tpu.memref_slice %arg2[%add3A_50, %dma_start3A_51] : memref<100352x256xf32, #tpu.memory_space<hbm>> -> memref<168x256xf32, #tpu.memory_space<hbm>>
    %dma_start3A_53 = arith.constant 0 : i32
    %dma_start3A_54 = tpu.memref_slice %arg2[%add3A_50, %dma_start3A_53] : memref<100352x256xf32, #tpu.memory_space<hbm>> -> memref<168x256xf32, #tpu.memory_space<hbm>>
    tpu.enqueue_dma source(%dma_start3A_54 : memref<168x256xf32, #tpu.memory_space<hbm>>) target(%arg5 : memref<168x256xf32, #tpu.memory_space<vmem>>) target_semaphore(%arg7 : memref<!tpu.dma_semaphore, #tpu.memory_space<semaphore_mem>>)
    %dma_wait3A_55 = arith.constant 0 : i32
    %dma_wait3A_56 = tpu.memref_slice %arg2[%add3A_30, %dma_wait3A_55] : memref<100352x256xf32, #tpu.memory_space<hbm>> -> memref<168x256xf32, #tpu.memory_space<hbm>>
    %dma_wait3A_57 = arith.constant 0 : i32
    %dma_wait3A_58 = tpu.memref_slice %arg2[%add3A_30, %dma_wait3A_57] : memref<100352x256xf32, #tpu.memory_space<hbm>> -> memref<168x256xf32, #tpu.memory_space<hbm>>
    tpu.wait_dma2 semaphore(%arg6 : memref<!tpu.dma_semaphore, #tpu.memory_space<semaphore_mem>>) src(%dma_wait3A_58 : memref<168x256xf32, #tpu.memory_space<hbm>>) dst(%arg4 : memref<168x256xf32, #tpu.memory_space<vmem>>)
    %add3A_59 = arith.constant 336 : i32
    %add3A_60 = arith.addi %add3A_4, %add3A_59 : i32
    %dma_start3A_61 = arith.constant 0 : i32
    %dma_start3A_62 = tpu.memref_slice %arg3[%add3A_60, %dma_start3A_61] : memref<100352x256xf32, #tpu.memory_space<hbm>> -> memref<168x256xf32, #tpu.memory_space<hbm>>
    %dma_start3A_63 = arith.constant 0 : i32
    %dma_start3A_64 = tpu.memref_slice %arg3[%add3A_60, %dma_start3A_63] : memref<100352x256xf32, #tpu.memory_space<hbm>> -> memref<168x256xf32, #tpu.memory_space<hbm>>
    tpu.enqueue_dma source(%arg4 : memref<168x256xf32, #tpu.memory_space<vmem>>) target(%dma_start3A_64 : memref<168x256xf32, #tpu.memory_space<hbm>>) target_semaphore(%arg8 : memref<!tpu.dma_semaphore, #tpu.memory_space<semaphore_mem>>)
    %dma_wait3A_65 = arith.constant 0 : i32
    %dma_wait3A_66 = tpu.memref_slice %arg3[%add3A_60, %dma_wait3A_65] : memref<100352x256xf32, #tpu.memory_space<hbm>> -> memref<168x256xf32, #tpu.memory_space<hbm>>
    %dma_wait3A_67 = arith.constant 0 : i32
    %dma_wait3A_68 = tpu.memref_slice %arg3[%add3A_60, %dma_wait3A_67] : memref<100352x256xf32, #tpu.memory_space<hbm>> -> memref<168x256xf32, #tpu.memory_space<hbm>>
    tpu.wait_dma2 semaphore(%arg8 : memref<!tpu.dma_semaphore, #tpu.memory_space<semaphore_mem>>) src(%arg4 : memref<168x256xf32, #tpu.memory_space<vmem>>) dst(%dma_wait3A_68 : memref<168x256xf32, #tpu.memory_space<hbm>>)
    %add3A_69 = arith.constant 672 : i32
    %add3A_70 = arith.addi %add3A_4, %add3A_69 : i32
    %dma_start3A_71 = arith.constant 0 : i32
    %dma_start3A_72 = tpu.memref_slice %arg2[%add3A_70, %dma_start3A_71] : memref<100352x256xf32, #tpu.memory_space<hbm>> -> memref<168x256xf32, #tpu.memory_space<hbm>>
    %dma_start3A_73 = arith.constant 0 : i32
    %dma_start3A_74 = tpu.memref_slice %arg2[%add3A_70, %dma_start3A_73] : memref<100352x256xf32, #tpu.memory_space<hbm>> -> memref<168x256xf32, #tpu.memory_space<hbm>>
    tpu.enqueue_dma source(%dma_start3A_74 : memref<168x256xf32, #tpu.memory_space<hbm>>) target(%arg4 : memref<168x256xf32, #tpu.memory_space<vmem>>) target_semaphore(%arg6 : memref<!tpu.dma_semaphore, #tpu.memory_space<semaphore_mem>>)
    %dma_wait3A_75 = arith.constant 0 : i32
    %dma_wait3A_76 = tpu.memref_slice %arg2[%add3A_50, %dma_wait3A_75] : memref<100352x256xf32, #tpu.memory_space<hbm>> -> memref<168x256xf32, #tpu.memory_space<hbm>>
    %dma_wait3A_77 = arith.constant 0 : i32
    %dma_wait3A_78 = tpu.memref_slice %arg2[%add3A_50, %dma_wait3A_77] : memref<100352x256xf32, #tpu.memory_space<hbm>> -> memref<168x256xf32, #tpu.memory_space<hbm>>
    tpu.wait_dma2 semaphore(%arg7 : memref<!tpu.dma_semaphore, #tpu.memory_space<semaphore_mem>>) src(%dma_wait3A_78 : memref<168x256xf32, #tpu.memory_space<hbm>>) dst(%arg5 : memref<168x256xf32, #tpu.memory_space<vmem>>)
    %add3A_79 = arith.constant 504 : i32
    %add3A_80 = arith.addi %add3A_4, %add3A_79 : i32
    %dma_start3A_81 = arith.constant 0 : i32
    %dma_start3A_82 = tpu.memref_slice %arg3[%add3A_80, %dma_start3A_81] : memref<100352x256xf32, #tpu.memory_space<hbm>> -> memref<168x256xf32, #tpu.memory_space<hbm>>
    %dma_start3A_83 = arith.constant 0 : i32
    %dma_start3A_84 = tpu.memref_slice %arg3[%add3A_80, %dma_start3A_83] : memref<100352x256xf32, #tpu.memory_space<hbm>> -> memref<168x256xf32, #tpu.memory_space<hbm>>
    tpu.enqueue_dma source(%arg5 : memref<168x256xf32, #tpu.memory_space<vmem>>) target(%dma_start3A_84 : memref<168x256xf32, #tpu.memory_space<hbm>>) target_semaphore(%arg9 : memref<!tpu.dma_semaphore, #tpu.memory_space<semaphore_mem>>)
    %dma_wait3A_85 = arith.constant 0 : i32
    %dma_wait3A_86 = tpu.memref_slice %arg3[%add3A_80, %dma_wait3A_85] : memref<100352x256xf32, #tpu.memory_space<hbm>> -> memref<168x256xf32, #tpu.memory_space<hbm>>
    %dma_wait3A_87 = arith.constant 0 : i32
    %dma_wait3A_88 = tpu.memref_slice %arg3[%add3A_80, %dma_wait3A_87] : memref<100352x256xf32, #tpu.memory_space<hbm>> -> memref<168x256xf32, #tpu.memory_space<hbm>>
    tpu.wait_dma2 semaphore(%arg9 : memref<!tpu.dma_semaphore, #tpu.memory_space<semaphore_mem>>) src(%arg5 : memref<168x256xf32, #tpu.memory_space<vmem>>) dst(%dma_wait3A_88 : memref<168x256xf32, #tpu.memory_space<hbm>>)
    %add3A_89 = arith.constant 840 : i32
    %add3A_90 = arith.addi %add3A_4, %add3A_89 : i32
    %dma_start3A_91 = arith.constant 0 : i32
    %dma_start3A_92 = tpu.memref_slice %arg2[%add3A_90, %dma_start3A_91] : memref<100352x256xf32, #tpu.memory_space<hbm>> -> memref<168x256xf32, #tpu.memory_space<hbm>>
    %dma_start3A_93 = arith.constant 0 : i32
    %dma_start3A_94 = tpu.memref_slice %arg2[%add3A_90, %dma_start3A_93] : memref<100352x256xf32, #tpu.memory_space<hbm>> -> memref<168x256xf32, #tpu.memory_space<hbm>>
    tpu.enqueue_dma source(%dma_start3A_94 : memref<168x256xf32, #tpu.memory_space<hbm>>) target(%arg5 : memref<168x256xf32, #tpu.memory_space<vmem>>) target_semaphore(%arg7 : memref<!tpu.dma_semaphore, #tpu.memory_space<semaphore_mem>>)
    %dma_wait3A_95 = arith.constant 0 : i32
    %dma_wait3A_96 = tpu.memref_slice %arg2[%add3A_70, %dma_wait3A_95] : memref<100352x256xf32, #tpu.memory_space<hbm>> -> memref<168x256xf32, #tpu.memory_space<hbm>>
    %dma_wait3A_97 = arith.constant 0 : i32
    %dma_wait3A_98 = tpu.memref_slice %arg2[%add3A_70, %dma_wait3A_97] : memref<100352x256xf32, #tpu.memory_space<hbm>> -> memref<168x256xf32, #tpu.memory_space<hbm>>
    tpu.wait_dma2 semaphore(%arg6 : memref<!tpu.dma_semaphore, #tpu.memory_space<semaphore_mem>>) src(%dma_wait3A_98 : memref<168x256xf32, #tpu.memory_space<hbm>>) dst(%arg4 : memref<168x256xf32, #tpu.memory_space<vmem>>)
    %add3A_99 = arith.constant 672 : i32
    %add3A_100 = arith.addi %add3A_4, %add3A_99 : i32
    %dma_start3A_101 = arith.constant 0 : i32
    %dma_start3A_102 = tpu.memref_slice %arg3[%add3A_100, %dma_start3A_101] : memref<100352x256xf32, #tpu.memory_space<hbm>> -> memref<168x256xf32, #tpu.memory_space<hbm>>
    %dma_start3A_103 = arith.constant 0 : i32
    %dma_start3A_104 = tpu.memref_slice %arg3[%add3A_100, %dma_start3A_103] : memref<100352x256xf32, #tpu.memory_space<hbm>> -> memref<168x256xf32, #tpu.memory_space<hbm>>
    tpu.enqueue_dma source(%arg4 : memref<168x256xf32, #tpu.memory_space<vmem>>) target(%dma_start3A_104 : memref<168x256xf32, #tpu.memory_space<hbm>>) target_semaphore(%arg8 : memref<!tpu.dma_semaphore, #tpu.memory_space<semaphore_mem>>)
    %dma_wait3A_105 = arith.constant 0 : i32
    %dma_wait3A_106 = tpu.memref_slice %arg3[%add3A_100, %dma_wait3A_105] : memref<100352x256xf32, #tpu.memory_space<hbm>> -> memref<168x256xf32, #tpu.memory_space<hbm>>
    %dma_wait3A_107 = arith.constant 0 : i32
    %dma_wait3A_108 = tpu.memref_slice %arg3[%add3A_100, %dma_wait3A_107] : memref<100352x256xf32, #tpu.memory_space<hbm>> -> memref<168x256xf32, #tpu.memory_space<hbm>>
    tpu.wait_dma2 semaphore(%arg8 : memref<!tpu.dma_semaphore, #tpu.memory_space<semaphore_mem>>) src(%arg4 : memref<168x256xf32, #tpu.memory_space<vmem>>) dst(%dma_wait3A_108 : memref<168x256xf32, #tpu.memory_space<hbm>>)
    %add3A_109 = arith.constant 1008 : i32
    %add3A_110 = arith.addi %add3A_4, %add3A_109 : i32
    %dma_start3A_111 = arith.constant 0 : i32
    %dma_start3A_112 = tpu.memref_slice %arg2[%add3A_110, %dma_start3A_111] : memref<100352x256xf32, #tpu.memory_space<hbm>> -> memref<168x256xf32, #tpu.memory_space<hbm>>
    %dma_start3A_113 = arith.constant 0 : i32
    %dma_start3A_114 = tpu.memref_slice %arg2[%add3A_110, %dma_start3A_113] : memref<100352x256xf32, #tpu.memory_space<hbm>> -> memref<168x256xf32, #tpu.memory_space<hbm>>
    tpu.enqueue_dma source(%dma_start3A_114 : memref<168x256xf32, #tpu.memory_space<hbm>>) target(%arg4 : memref<168x256xf32, #tpu.memory_space<vmem>>) target_semaphore(%arg6 : memref<!tpu.dma_semaphore, #tpu.memory_space<semaphore_mem>>)
    %dma_wait3A_115 = arith.constant 0 : i32
    %dma_wait3A_116 = tpu.memref_slice %arg2[%add3A_90, %dma_wait3A_115] : memref<100352x256xf32, #tpu.memory_space<hbm>> -> memref<168x256xf32, #tpu.memory_space<hbm>>
    %dma_wait3A_117 = arith.constant 0 : i32
    %dma_wait3A_118 = tpu.memref_slice %arg2[%add3A_90, %dma_wait3A_117] : memref<100352x256xf32, #tpu.memory_space<hbm>> -> memref<168x256xf32, #tpu.memory_space<hbm>>
    tpu.wait_dma2 semaphore(%arg7 : memref<!tpu.dma_semaphore, #tpu.memory_space<semaphore_mem>>) src(%dma_wait3A_118 : memref<168x256xf32, #tpu.memory_space<hbm>>) dst(%arg5 : memref<168x256xf32, #tpu.memory_space<vmem>>)
    %add3A_119 = arith.constant 840 : i32
    %add3A_120 = arith.addi %add3A_4, %add3A_119 : i32
    %dma_start3A_121 = arith.constant 0 : i32
    %dma_start3A_122 = tpu.memref_slice %arg3[%add3A_120, %dma_start3A_121] : memref<100352x256xf32, #tpu.memory_space<hbm>> -> memref<168x256xf32, #tpu.memory_space<hbm>>
    %dma_start3A_123 = arith.constant 0 : i32
    %dma_start3A_124 = tpu.memref_slice %arg3[%add3A_120, %dma_start3A_123] : memref<100352x256xf32, #tpu.memory_space<hbm>> -> memref<168x256xf32, #tpu.memory_space<hbm>>
    tpu.enqueue_dma source(%arg5 : memref<168x256xf32, #tpu.memory_space<vmem>>) target(%dma_start3A_124 : memref<168x256xf32, #tpu.memory_space<hbm>>) target_semaphore(%arg9 : memref<!tpu.dma_semaphore, #tpu.memory_space<semaphore_mem>>)
    %dma_wait3A_125 = arith.constant 0 : i32
    %dma_wait3A_126 = tpu.memref_slice %arg2[%add3A_110, %dma_wait3A_125] : memref<100352x256xf32, #tpu.memory_space<hbm>> -> memref<168x256xf32, #tpu.memory_space<hbm>>
    %dma_wait3A_127 = arith.constant 0 : i32
    %dma_wait3A_128 = tpu.memref_slice %arg2[%add3A_110, %dma_wait3A_127] : memref<100352x256xf32, #tpu.memory_space<hbm>> -> memref<168x256xf32, #tpu.memory_space<hbm>>
    tpu.wait_dma2 semaphore(%arg6 : memref<!tpu.dma_semaphore, #tpu.memory_space<semaphore_mem>>) src(%dma_wait3A_128 : memref<168x256xf32, #tpu.memory_space<hbm>>) dst(%arg4 : memref<168x256xf32, #tpu.memory_space<vmem>>)
    %add3A_129 = arith.constant 1008 : i32
    %add3A_130 = arith.addi %add3A_4, %add3A_129 : i32
    %dma_start3A_131 = arith.constant 0 : i32
    %dma_start3A_132 = tpu.memref_slice %arg3[%add3A_130, %dma_start3A_131] : memref<100352x256xf32, #tpu.memory_space<hbm>> -> memref<168x256xf32, #tpu.memory_space<hbm>>
    %dma_start3A_133 = arith.constant 0 : i32
    %dma_start3A_134 = tpu.memref_slice %arg3[%add3A_130, %dma_start3A_133] : memref<100352x256xf32, #tpu.memory_space<hbm>> -> memref<168x256xf32, #tpu.memory_space<hbm>>
    tpu.enqueue_dma source(%arg4 : memref<168x256xf32, #tpu.memory_space<vmem>>) target(%dma_start3A_134 : memref<168x256xf32, #tpu.memory_space<hbm>>) target_semaphore(%arg8 : memref<!tpu.dma_semaphore, #tpu.memory_space<semaphore_mem>>)
    %dma_wait3A_135 = arith.constant 0 : i32
    %dma_wait3A_136 = tpu.memref_slice %arg3[%add3A_130, %dma_wait3A_135] : memref<100352x256xf32, #tpu.memory_space<hbm>> -> memref<168x256xf32, #tpu.memory_space<hbm>>
    %dma_wait3A_137 = arith.constant 0 : i32
    %dma_wait3A_138 = tpu.memref_slice %arg3[%add3A_130, %dma_wait3A_137] : memref<100352x256xf32, #tpu.memory_space<hbm>> -> memref<168x256xf32, #tpu.memory_space<hbm>>
    tpu.wait_dma2 semaphore(%arg8 : memref<!tpu.dma_semaphore, #tpu.memory_space<semaphore_mem>>) src(%arg4 : memref<168x256xf32, #tpu.memory_space<vmem>>) dst(%dma_wait3A_138 : memref<168x256xf32, #tpu.memory_space<hbm>>)
    %dma_wait3A_139 = arith.constant 0 : i32
    %dma_wait3A_140 = tpu.memref_slice %arg3[%add3A_120, %dma_wait3A_139] : memref<100352x256xf32, #tpu.memory_space<hbm>> -> memref<168x256xf32, #tpu.memory_space<hbm>>
    %dma_wait3A_141 = arith.constant 0 : i32
    %dma_wait3A_142 = tpu.memref_slice %arg3[%add3A_120, %dma_wait3A_141] : memref<100352x256xf32, #tpu.memory_space<hbm>> -> memref<168x256xf32, #tpu.memory_space<hbm>>
    tpu.wait_dma2 semaphore(%arg9 : memref<!tpu.dma_semaphore, #tpu.memory_space<semaphore_mem>>) src(%arg5 : memref<168x256xf32, #tpu.memory_space<vmem>>) dst(%dma_wait3A_142 : memref<168x256xf32, #tpu.memory_space<hbm>>)
    return
  }
}

module attributes {stable_mosaic.version = 14 : i64} {
  func.func @_tc_body(%arg0: memref<100352x256xf32, #tpu.memory_space<any>>, %arg1: memref<100352x256xf32, #tpu.memory_space<any>>, %arg2: memref<4x6272x256xf32, #tpu.memory_space<vmem>>, %arg3: memref<4x!tpu.dma_semaphore, #tpu.memory_space<semaphore_mem>>, %arg4: memref<4x!tpu.dma_semaphore, #tpu.memory_space<semaphore_mem>>) attributes {dimension_semantics = [], scalar_prefetch = 0 : i64, scratch_operands = 3 : i64, tpu.core_type = #tpu.core_type<tc>} {
    %dma_start3A = arith.constant 0 : i32
    %dma_start3A_0 = arith.constant 0 : i32
    %dma_start3A_1 = tpu.memref_slice %arg3[%dma_start3A_0] : memref<4x!tpu.dma_semaphore, #tpu.memory_space<semaphore_mem>> -> memref<1x!tpu.dma_semaphore, #tpu.memory_space<semaphore_mem>>
    %dma_start3A_2 = tpu.memref_squeeze %dma_start3A_1 : memref<1x!tpu.dma_semaphore, #tpu.memory_space<semaphore_mem>> -> memref<!tpu.dma_semaphore, #tpu.memory_space<semaphore_mem>>
    %dma_start3A_3 = arith.constant 0 : i32
    %dma_start3A_4 = arith.constant 0 : i32
    %dma_start3A_5 = tpu.memref_slice %arg2[%dma_start3A, %dma_start3A_3, %dma_start3A_4] : memref<4x6272x256xf32, #tpu.memory_space<vmem>> -> memref<1x6272x256xf32, #tpu.memory_space<vmem>>
    %dma_start3A_6 = tpu.memref_squeeze %dma_start3A_5 : memref<1x6272x256xf32, #tpu.memory_space<vmem>> -> memref<6272x256xf32, #tpu.memory_space<vmem>>
    %dma_start3A_7 = arith.constant 0 : i32
    %dma_start3A_8 = arith.constant 0 : i32
    %dma_start3A_9 = tpu.memref_slice %arg0[%dma_start3A_7, %dma_start3A_8] : memref<100352x256xf32, #tpu.memory_space<any>> -> memref<6272x256xf32, #tpu.memory_space<any>>
    tpu.enqueue_dma source(%dma_start3A_9 : memref<6272x256xf32, #tpu.memory_space<any>>) target(%dma_start3A_6 : memref<6272x256xf32, #tpu.memory_space<vmem>>) target_semaphore(%dma_start3A_2 : memref<!tpu.dma_semaphore, #tpu.memory_space<semaphore_mem>>)
    %dma_start3A_10 = arith.constant 1 : i32
    %dma_start3A_11 = arith.constant 1 : i32
    %dma_start3A_12 = tpu.memref_slice %arg3[%dma_start3A_11] : memref<4x!tpu.dma_semaphore, #tpu.memory_space<semaphore_mem>> -> memref<1x!tpu.dma_semaphore, #tpu.memory_space<semaphore_mem>>
    %dma_start3A_13 = tpu.memref_squeeze %dma_start3A_12 : memref<1x!tpu.dma_semaphore, #tpu.memory_space<semaphore_mem>> -> memref<!tpu.dma_semaphore, #tpu.memory_space<semaphore_mem>>
    %dma_start3A_14 = arith.constant 0 : i32
    %dma_start3A_15 = arith.constant 0 : i32
    %dma_start3A_16 = tpu.memref_slice %arg2[%dma_start3A_10, %dma_start3A_14, %dma_start3A_15] : memref<4x6272x256xf32, #tpu.memory_space<vmem>> -> memref<1x6272x256xf32, #tpu.memory_space<vmem>>
    %dma_start3A_17 = tpu.memref_squeeze %dma_start3A_16 : memref<1x6272x256xf32, #tpu.memory_space<vmem>> -> memref<6272x256xf32, #tpu.memory_space<vmem>>
    %dma_start3A_18 = arith.constant 6272 : i32
    %dma_start3A_19 = arith.constant 0 : i32
    %dma_start3A_20 = tpu.memref_slice %arg0[%dma_start3A_18, %dma_start3A_19] : memref<100352x256xf32, #tpu.memory_space<any>> -> memref<6272x256xf32, #tpu.memory_space<any>>
    tpu.enqueue_dma source(%dma_start3A_20 : memref<6272x256xf32, #tpu.memory_space<any>>) target(%dma_start3A_17 : memref<6272x256xf32, #tpu.memory_space<vmem>>) target_semaphore(%dma_start3A_13 : memref<!tpu.dma_semaphore, #tpu.memory_space<semaphore_mem>>)
    %dma_wait3A = arith.constant 0 : i32
    %dma_wait3A_21 = arith.constant 0 : i32
    %dma_wait3A_22 = tpu.memref_slice %arg3[%dma_wait3A_21] : memref<4x!tpu.dma_semaphore, #tpu.memory_space<semaphore_mem>> -> memref<1x!tpu.dma_semaphore, #tpu.memory_space<semaphore_mem>>
    %dma_wait3A_23 = tpu.memref_squeeze %dma_wait3A_22 : memref<1x!tpu.dma_semaphore, #tpu.memory_space<semaphore_mem>> -> memref<!tpu.dma_semaphore, #tpu.memory_space<semaphore_mem>>
    %dma_wait3A_24 = arith.constant 0 : i32
    %dma_wait3A_25 = arith.constant 0 : i32
    %dma_wait3A_26 = tpu.memref_slice %arg2[%dma_wait3A, %dma_wait3A_24, %dma_wait3A_25] : memref<4x6272x256xf32, #tpu.memory_space<vmem>> -> memref<1x6272x256xf32, #tpu.memory_space<vmem>>
    %dma_wait3A_27 = tpu.memref_squeeze %dma_wait3A_26 : memref<1x6272x256xf32, #tpu.memory_space<vmem>> -> memref<6272x256xf32, #tpu.memory_space<vmem>>
    %dma_wait3A_28 = arith.constant 0 : i32
    %dma_wait3A_29 = arith.constant 0 : i32
    %dma_wait3A_30 = tpu.memref_slice %arg0[%dma_wait3A_28, %dma_wait3A_29] : memref<100352x256xf32, #tpu.memory_space<any>> -> memref<6272x256xf32, #tpu.memory_space<any>>
    tpu.wait_dma2 semaphore(%dma_wait3A_23 : memref<!tpu.dma_semaphore, #tpu.memory_space<semaphore_mem>>) src(%dma_wait3A_30 : memref<6272x256xf32, #tpu.memory_space<any>>) dst(%dma_wait3A_27 : memref<6272x256xf32, #tpu.memory_space<vmem>>)
    %dma_start3A_31 = arith.constant 0 : i32
    %dma_start3A_32 = arith.constant 0 : i32
    %dma_start3A_33 = tpu.memref_slice %arg4[%dma_start3A_32] : memref<4x!tpu.dma_semaphore, #tpu.memory_space<semaphore_mem>> -> memref<1x!tpu.dma_semaphore, #tpu.memory_space<semaphore_mem>>
    %dma_start3A_34 = tpu.memref_squeeze %dma_start3A_33 : memref<1x!tpu.dma_semaphore, #tpu.memory_space<semaphore_mem>> -> memref<!tpu.dma_semaphore, #tpu.memory_space<semaphore_mem>>
    %dma_start3A_35 = arith.constant 0 : i32
    %dma_start3A_36 = arith.constant 0 : i32
    %dma_start3A_37 = tpu.memref_slice %arg1[%dma_start3A_35, %dma_start3A_36] : memref<100352x256xf32, #tpu.memory_space<any>> -> memref<6272x256xf32, #tpu.memory_space<any>>
    %dma_start3A_38 = arith.constant 0 : i32
    %dma_start3A_39 = arith.constant 0 : i32
    %dma_start3A_40 = tpu.memref_slice %arg2[%dma_start3A_31, %dma_start3A_38, %dma_start3A_39] : memref<4x6272x256xf32, #tpu.memory_space<vmem>> -> memref<1x6272x256xf32, #tpu.memory_space<vmem>>
    %dma_start3A_41 = tpu.memref_squeeze %dma_start3A_40 : memref<1x6272x256xf32, #tpu.memory_space<vmem>> -> memref<6272x256xf32, #tpu.memory_space<vmem>>
    tpu.enqueue_dma source(%dma_start3A_41 : memref<6272x256xf32, #tpu.memory_space<vmem>>) target(%dma_start3A_37 : memref<6272x256xf32, #tpu.memory_space<any>>) target_semaphore(%dma_start3A_34 : memref<!tpu.dma_semaphore, #tpu.memory_space<semaphore_mem>>)
    %dma_start3A_42 = arith.constant 2 : i32
    %dma_start3A_43 = arith.constant 2 : i32
    %dma_start3A_44 = tpu.memref_slice %arg3[%dma_start3A_43] : memref<4x!tpu.dma_semaphore, #tpu.memory_space<semaphore_mem>> -> memref<1x!tpu.dma_semaphore, #tpu.memory_space<semaphore_mem>>
    %dma_start3A_45 = tpu.memref_squeeze %dma_start3A_44 : memref<1x!tpu.dma_semaphore, #tpu.memory_space<semaphore_mem>> -> memref<!tpu.dma_semaphore, #tpu.memory_space<semaphore_mem>>
    %dma_start3A_46 = arith.constant 0 : i32
    %dma_start3A_47 = arith.constant 0 : i32
    %dma_start3A_48 = tpu.memref_slice %arg2[%dma_start3A_42, %dma_start3A_46, %dma_start3A_47] : memref<4x6272x256xf32, #tpu.memory_space<vmem>> -> memref<1x6272x256xf32, #tpu.memory_space<vmem>>
    %dma_start3A_49 = tpu.memref_squeeze %dma_start3A_48 : memref<1x6272x256xf32, #tpu.memory_space<vmem>> -> memref<6272x256xf32, #tpu.memory_space<vmem>>
    %dma_start3A_50 = arith.constant 12544 : i32
    %dma_start3A_51 = arith.constant 0 : i32
    %dma_start3A_52 = tpu.memref_slice %arg0[%dma_start3A_50, %dma_start3A_51] : memref<100352x256xf32, #tpu.memory_space<any>> -> memref<6272x256xf32, #tpu.memory_space<any>>
    tpu.enqueue_dma source(%dma_start3A_52 : memref<6272x256xf32, #tpu.memory_space<any>>) target(%dma_start3A_49 : memref<6272x256xf32, #tpu.memory_space<vmem>>) target_semaphore(%dma_start3A_45 : memref<!tpu.dma_semaphore, #tpu.memory_space<semaphore_mem>>)
    %dma_wait3A_53 = arith.constant 1 : i32
    %dma_wait3A_54 = arith.constant 1 : i32
    %dma_wait3A_55 = tpu.memref_slice %arg3[%dma_wait3A_54] : memref<4x!tpu.dma_semaphore, #tpu.memory_space<semaphore_mem>> -> memref<1x!tpu.dma_semaphore, #tpu.memory_space<semaphore_mem>>
    %dma_wait3A_56 = tpu.memref_squeeze %dma_wait3A_55 : memref<1x!tpu.dma_semaphore, #tpu.memory_space<semaphore_mem>> -> memref<!tpu.dma_semaphore, #tpu.memory_space<semaphore_mem>>
    %dma_wait3A_57 = arith.constant 0 : i32
    %dma_wait3A_58 = arith.constant 0 : i32
    %dma_wait3A_59 = tpu.memref_slice %arg2[%dma_wait3A_53, %dma_wait3A_57, %dma_wait3A_58] : memref<4x6272x256xf32, #tpu.memory_space<vmem>> -> memref<1x6272x256xf32, #tpu.memory_space<vmem>>
    %dma_wait3A_60 = tpu.memref_squeeze %dma_wait3A_59 : memref<1x6272x256xf32, #tpu.memory_space<vmem>> -> memref<6272x256xf32, #tpu.memory_space<vmem>>
    %dma_wait3A_61 = arith.constant 6272 : i32
    %dma_wait3A_62 = arith.constant 0 : i32
    %dma_wait3A_63 = tpu.memref_slice %arg0[%dma_wait3A_61, %dma_wait3A_62] : memref<100352x256xf32, #tpu.memory_space<any>> -> memref<6272x256xf32, #tpu.memory_space<any>>
    tpu.wait_dma2 semaphore(%dma_wait3A_56 : memref<!tpu.dma_semaphore, #tpu.memory_space<semaphore_mem>>) src(%dma_wait3A_63 : memref<6272x256xf32, #tpu.memory_space<any>>) dst(%dma_wait3A_60 : memref<6272x256xf32, #tpu.memory_space<vmem>>)
    %dma_start3A_64 = arith.constant 1 : i32
    %dma_start3A_65 = arith.constant 1 : i32
    %dma_start3A_66 = tpu.memref_slice %arg4[%dma_start3A_65] : memref<4x!tpu.dma_semaphore, #tpu.memory_space<semaphore_mem>> -> memref<1x!tpu.dma_semaphore, #tpu.memory_space<semaphore_mem>>
    %dma_start3A_67 = tpu.memref_squeeze %dma_start3A_66 : memref<1x!tpu.dma_semaphore, #tpu.memory_space<semaphore_mem>> -> memref<!tpu.dma_semaphore, #tpu.memory_space<semaphore_mem>>
    %dma_start3A_68 = arith.constant 6272 : i32
    %dma_start3A_69 = arith.constant 0 : i32
    %dma_start3A_70 = tpu.memref_slice %arg1[%dma_start3A_68, %dma_start3A_69] : memref<100352x256xf32, #tpu.memory_space<any>> -> memref<6272x256xf32, #tpu.memory_space<any>>
    %dma_start3A_71 = arith.constant 0 : i32
    %dma_start3A_72 = arith.constant 0 : i32
    %dma_start3A_73 = tpu.memref_slice %arg2[%dma_start3A_64, %dma_start3A_71, %dma_start3A_72] : memref<4x6272x256xf32, #tpu.memory_space<vmem>> -> memref<1x6272x256xf32, #tpu.memory_space<vmem>>
    %dma_start3A_74 = tpu.memref_squeeze %dma_start3A_73 : memref<1x6272x256xf32, #tpu.memory_space<vmem>> -> memref<6272x256xf32, #tpu.memory_space<vmem>>
    tpu.enqueue_dma source(%dma_start3A_74 : memref<6272x256xf32, #tpu.memory_space<vmem>>) target(%dma_start3A_70 : memref<6272x256xf32, #tpu.memory_space<any>>) target_semaphore(%dma_start3A_67 : memref<!tpu.dma_semaphore, #tpu.memory_space<semaphore_mem>>)
    %dma_start3A_75 = arith.constant 3 : i32
    %dma_start3A_76 = arith.constant 3 : i32
    %dma_start3A_77 = tpu.memref_slice %arg3[%dma_start3A_76] : memref<4x!tpu.dma_semaphore, #tpu.memory_space<semaphore_mem>> -> memref<1x!tpu.dma_semaphore, #tpu.memory_space<semaphore_mem>>
    %dma_start3A_78 = tpu.memref_squeeze %dma_start3A_77 : memref<1x!tpu.dma_semaphore, #tpu.memory_space<semaphore_mem>> -> memref<!tpu.dma_semaphore, #tpu.memory_space<semaphore_mem>>
    %dma_start3A_79 = arith.constant 0 : i32
    %dma_start3A_80 = arith.constant 0 : i32
    %dma_start3A_81 = tpu.memref_slice %arg2[%dma_start3A_75, %dma_start3A_79, %dma_start3A_80] : memref<4x6272x256xf32, #tpu.memory_space<vmem>> -> memref<1x6272x256xf32, #tpu.memory_space<vmem>>
    %dma_start3A_82 = tpu.memref_squeeze %dma_start3A_81 : memref<1x6272x256xf32, #tpu.memory_space<vmem>> -> memref<6272x256xf32, #tpu.memory_space<vmem>>
    %dma_start3A_83 = arith.constant 18816 : i32
    %dma_start3A_84 = arith.constant 0 : i32
    %dma_start3A_85 = tpu.memref_slice %arg0[%dma_start3A_83, %dma_start3A_84] : memref<100352x256xf32, #tpu.memory_space<any>> -> memref<6272x256xf32, #tpu.memory_space<any>>
    tpu.enqueue_dma source(%dma_start3A_85 : memref<6272x256xf32, #tpu.memory_space<any>>) target(%dma_start3A_82 : memref<6272x256xf32, #tpu.memory_space<vmem>>) target_semaphore(%dma_start3A_78 : memref<!tpu.dma_semaphore, #tpu.memory_space<semaphore_mem>>)
    %dma_wait3A_86 = arith.constant 2 : i32
    %dma_wait3A_87 = arith.constant 2 : i32
    %dma_wait3A_88 = tpu.memref_slice %arg3[%dma_wait3A_87] : memref<4x!tpu.dma_semaphore, #tpu.memory_space<semaphore_mem>> -> memref<1x!tpu.dma_semaphore, #tpu.memory_space<semaphore_mem>>
    %dma_wait3A_89 = tpu.memref_squeeze %dma_wait3A_88 : memref<1x!tpu.dma_semaphore, #tpu.memory_space<semaphore_mem>> -> memref<!tpu.dma_semaphore, #tpu.memory_space<semaphore_mem>>
    %dma_wait3A_90 = arith.constant 0 : i32
    %dma_wait3A_91 = arith.constant 0 : i32
    %dma_wait3A_92 = tpu.memref_slice %arg2[%dma_wait3A_86, %dma_wait3A_90, %dma_wait3A_91] : memref<4x6272x256xf32, #tpu.memory_space<vmem>> -> memref<1x6272x256xf32, #tpu.memory_space<vmem>>
    %dma_wait3A_93 = tpu.memref_squeeze %dma_wait3A_92 : memref<1x6272x256xf32, #tpu.memory_space<vmem>> -> memref<6272x256xf32, #tpu.memory_space<vmem>>
    %dma_wait3A_94 = arith.constant 12544 : i32
    %dma_wait3A_95 = arith.constant 0 : i32
    %dma_wait3A_96 = tpu.memref_slice %arg0[%dma_wait3A_94, %dma_wait3A_95] : memref<100352x256xf32, #tpu.memory_space<any>> -> memref<6272x256xf32, #tpu.memory_space<any>>
    tpu.wait_dma2 semaphore(%dma_wait3A_89 : memref<!tpu.dma_semaphore, #tpu.memory_space<semaphore_mem>>) src(%dma_wait3A_96 : memref<6272x256xf32, #tpu.memory_space<any>>) dst(%dma_wait3A_93 : memref<6272x256xf32, #tpu.memory_space<vmem>>)
    %dma_start3A_97 = arith.constant 2 : i32
    %dma_start3A_98 = arith.constant 2 : i32
    %dma_start3A_99 = tpu.memref_slice %arg4[%dma_start3A_98] : memref<4x!tpu.dma_semaphore, #tpu.memory_space<semaphore_mem>> -> memref<1x!tpu.dma_semaphore, #tpu.memory_space<semaphore_mem>>
    %dma_start3A_100 = tpu.memref_squeeze %dma_start3A_99 : memref<1x!tpu.dma_semaphore, #tpu.memory_space<semaphore_mem>> -> memref<!tpu.dma_semaphore, #tpu.memory_space<semaphore_mem>>
    %dma_start3A_101 = arith.constant 12544 : i32
    %dma_start3A_102 = arith.constant 0 : i32
    %dma_start3A_103 = tpu.memref_slice %arg1[%dma_start3A_101, %dma_start3A_102] : memref<100352x256xf32, #tpu.memory_space<any>> -> memref<6272x256xf32, #tpu.memory_space<any>>
    %dma_start3A_104 = arith.constant 0 : i32
    %dma_start3A_105 = arith.constant 0 : i32
    %dma_start3A_106 = tpu.memref_slice %arg2[%dma_start3A_97, %dma_start3A_104, %dma_start3A_105] : memref<4x6272x256xf32, #tpu.memory_space<vmem>> -> memref<1x6272x256xf32, #tpu.memory_space<vmem>>
    %dma_start3A_107 = tpu.memref_squeeze %dma_start3A_106 : memref<1x6272x256xf32, #tpu.memory_space<vmem>> -> memref<6272x256xf32, #tpu.memory_space<vmem>>
    tpu.enqueue_dma source(%dma_start3A_107 : memref<6272x256xf32, #tpu.memory_space<vmem>>) target(%dma_start3A_103 : memref<6272x256xf32, #tpu.memory_space<any>>) target_semaphore(%dma_start3A_100 : memref<!tpu.dma_semaphore, #tpu.memory_space<semaphore_mem>>)
    %dma_wait3A_108 = arith.constant 0 : i32
    %dma_wait3A_109 = arith.constant 0 : i32
    %dma_wait3A_110 = tpu.memref_slice %arg4[%dma_wait3A_109] : memref<4x!tpu.dma_semaphore, #tpu.memory_space<semaphore_mem>> -> memref<1x!tpu.dma_semaphore, #tpu.memory_space<semaphore_mem>>
    %dma_wait3A_111 = tpu.memref_squeeze %dma_wait3A_110 : memref<1x!tpu.dma_semaphore, #tpu.memory_space<semaphore_mem>> -> memref<!tpu.dma_semaphore, #tpu.memory_space<semaphore_mem>>
    %dma_wait3A_112 = arith.constant 0 : i32
    %dma_wait3A_113 = arith.constant 0 : i32
    %dma_wait3A_114 = tpu.memref_slice %arg1[%dma_wait3A_112, %dma_wait3A_113] : memref<100352x256xf32, #tpu.memory_space<any>> -> memref<6272x256xf32, #tpu.memory_space<any>>
    %dma_wait3A_115 = arith.constant 0 : i32
    %dma_wait3A_116 = arith.constant 0 : i32
    %dma_wait3A_117 = tpu.memref_slice %arg2[%dma_wait3A_108, %dma_wait3A_115, %dma_wait3A_116] : memref<4x6272x256xf32, #tpu.memory_space<vmem>> -> memref<1x6272x256xf32, #tpu.memory_space<vmem>>
    %dma_wait3A_118 = tpu.memref_squeeze %dma_wait3A_117 : memref<1x6272x256xf32, #tpu.memory_space<vmem>> -> memref<6272x256xf32, #tpu.memory_space<vmem>>
    tpu.wait_dma2 semaphore(%dma_wait3A_111 : memref<!tpu.dma_semaphore, #tpu.memory_space<semaphore_mem>>) src(%dma_wait3A_118 : memref<6272x256xf32, #tpu.memory_space<vmem>>) dst(%dma_wait3A_114 : memref<6272x256xf32, #tpu.memory_space<any>>)
    %dma_start3A_119 = arith.constant 0 : i32
    %dma_start3A_120 = arith.constant 0 : i32
    %dma_start3A_121 = tpu.memref_slice %arg3[%dma_start3A_120] : memref<4x!tpu.dma_semaphore, #tpu.memory_space<semaphore_mem>> -> memref<1x!tpu.dma_semaphore, #tpu.memory_space<semaphore_mem>>
    %dma_start3A_122 = tpu.memref_squeeze %dma_start3A_121 : memref<1x!tpu.dma_semaphore, #tpu.memory_space<semaphore_mem>> -> memref<!tpu.dma_semaphore, #tpu.memory_space<semaphore_mem>>
    %dma_start3A_123 = arith.constant 0 : i32
    %dma_start3A_124 = arith.constant 0 : i32
    %dma_start3A_125 = tpu.memref_slice %arg2[%dma_start3A_119, %dma_start3A_123, %dma_start3A_124] : memref<4x6272x256xf32, #tpu.memory_space<vmem>> -> memref<1x6272x256xf32, #tpu.memory_space<vmem>>
    %dma_start3A_126 = tpu.memref_squeeze %dma_start3A_125 : memref<1x6272x256xf32, #tpu.memory_space<vmem>> -> memref<6272x256xf32, #tpu.memory_space<vmem>>
    %dma_start3A_127 = arith.constant 25088 : i32
    %dma_start3A_128 = arith.constant 0 : i32
    %dma_start3A_129 = tpu.memref_slice %arg0[%dma_start3A_127, %dma_start3A_128] : memref<100352x256xf32, #tpu.memory_space<any>> -> memref<6272x256xf32, #tpu.memory_space<any>>
    tpu.enqueue_dma source(%dma_start3A_129 : memref<6272x256xf32, #tpu.memory_space<any>>) target(%dma_start3A_126 : memref<6272x256xf32, #tpu.memory_space<vmem>>) target_semaphore(%dma_start3A_122 : memref<!tpu.dma_semaphore, #tpu.memory_space<semaphore_mem>>)
    %dma_wait3A_130 = arith.constant 3 : i32
    %dma_wait3A_131 = arith.constant 3 : i32
    %dma_wait3A_132 = tpu.memref_slice %arg3[%dma_wait3A_131] : memref<4x!tpu.dma_semaphore, #tpu.memory_space<semaphore_mem>> -> memref<1x!tpu.dma_semaphore, #tpu.memory_space<semaphore_mem>>
    %dma_wait3A_133 = tpu.memref_squeeze %dma_wait3A_132 : memref<1x!tpu.dma_semaphore, #tpu.memory_space<semaphore_mem>> -> memref<!tpu.dma_semaphore, #tpu.memory_space<semaphore_mem>>
    %dma_wait3A_134 = arith.constant 0 : i32
    %dma_wait3A_135 = arith.constant 0 : i32
    %dma_wait3A_136 = tpu.memref_slice %arg2[%dma_wait3A_130, %dma_wait3A_134, %dma_wait3A_135] : memref<4x6272x256xf32, #tpu.memory_space<vmem>> -> memref<1x6272x256xf32, #tpu.memory_space<vmem>>
    %dma_wait3A_137 = tpu.memref_squeeze %dma_wait3A_136 : memref<1x6272x256xf32, #tpu.memory_space<vmem>> -> memref<6272x256xf32, #tpu.memory_space<vmem>>
    %dma_wait3A_138 = arith.constant 18816 : i32
    %dma_wait3A_139 = arith.constant 0 : i32
    %dma_wait3A_140 = tpu.memref_slice %arg0[%dma_wait3A_138, %dma_wait3A_139] : memref<100352x256xf32, #tpu.memory_space<any>> -> memref<6272x256xf32, #tpu.memory_space<any>>
    tpu.wait_dma2 semaphore(%dma_wait3A_133 : memref<!tpu.dma_semaphore, #tpu.memory_space<semaphore_mem>>) src(%dma_wait3A_140 : memref<6272x256xf32, #tpu.memory_space<any>>) dst(%dma_wait3A_137 : memref<6272x256xf32, #tpu.memory_space<vmem>>)
    %dma_start3A_141 = arith.constant 3 : i32
    %dma_start3A_142 = arith.constant 3 : i32
    %dma_start3A_143 = tpu.memref_slice %arg4[%dma_start3A_142] : memref<4x!tpu.dma_semaphore, #tpu.memory_space<semaphore_mem>> -> memref<1x!tpu.dma_semaphore, #tpu.memory_space<semaphore_mem>>
    %dma_start3A_144 = tpu.memref_squeeze %dma_start3A_143 : memref<1x!tpu.dma_semaphore, #tpu.memory_space<semaphore_mem>> -> memref<!tpu.dma_semaphore, #tpu.memory_space<semaphore_mem>>
    %dma_start3A_145 = arith.constant 18816 : i32
    %dma_start3A_146 = arith.constant 0 : i32
    %dma_start3A_147 = tpu.memref_slice %arg1[%dma_start3A_145, %dma_start3A_146] : memref<100352x256xf32, #tpu.memory_space<any>> -> memref<6272x256xf32, #tpu.memory_space<any>>
    %dma_start3A_148 = arith.constant 0 : i32
    %dma_start3A_149 = arith.constant 0 : i32
    %dma_start3A_150 = tpu.memref_slice %arg2[%dma_start3A_141, %dma_start3A_148, %dma_start3A_149] : memref<4x6272x256xf32, #tpu.memory_space<vmem>> -> memref<1x6272x256xf32, #tpu.memory_space<vmem>>
    %dma_start3A_151 = tpu.memref_squeeze %dma_start3A_150 : memref<1x6272x256xf32, #tpu.memory_space<vmem>> -> memref<6272x256xf32, #tpu.memory_space<vmem>>
    tpu.enqueue_dma source(%dma_start3A_151 : memref<6272x256xf32, #tpu.memory_space<vmem>>) target(%dma_start3A_147 : memref<6272x256xf32, #tpu.memory_space<any>>) target_semaphore(%dma_start3A_144 : memref<!tpu.dma_semaphore, #tpu.memory_space<semaphore_mem>>)
    %dma_wait3A_152 = arith.constant 1 : i32
    %dma_wait3A_153 = arith.constant 1 : i32
    %dma_wait3A_154 = tpu.memref_slice %arg4[%dma_wait3A_153] : memref<4x!tpu.dma_semaphore, #tpu.memory_space<semaphore_mem>> -> memref<1x!tpu.dma_semaphore, #tpu.memory_space<semaphore_mem>>
    %dma_wait3A_155 = tpu.memref_squeeze %dma_wait3A_154 : memref<1x!tpu.dma_semaphore, #tpu.memory_space<semaphore_mem>> -> memref<!tpu.dma_semaphore, #tpu.memory_space<semaphore_mem>>
    %dma_wait3A_156 = arith.constant 6272 : i32
    %dma_wait3A_157 = arith.constant 0 : i32
    %dma_wait3A_158 = tpu.memref_slice %arg1[%dma_wait3A_156, %dma_wait3A_157] : memref<100352x256xf32, #tpu.memory_space<any>> -> memref<6272x256xf32, #tpu.memory_space<any>>
    %dma_wait3A_159 = arith.constant 0 : i32
    %dma_wait3A_160 = arith.constant 0 : i32
    %dma_wait3A_161 = tpu.memref_slice %arg2[%dma_wait3A_152, %dma_wait3A_159, %dma_wait3A_160] : memref<4x6272x256xf32, #tpu.memory_space<vmem>> -> memref<1x6272x256xf32, #tpu.memory_space<vmem>>
    %dma_wait3A_162 = tpu.memref_squeeze %dma_wait3A_161 : memref<1x6272x256xf32, #tpu.memory_space<vmem>> -> memref<6272x256xf32, #tpu.memory_space<vmem>>
    tpu.wait_dma2 semaphore(%dma_wait3A_155 : memref<!tpu.dma_semaphore, #tpu.memory_space<semaphore_mem>>) src(%dma_wait3A_162 : memref<6272x256xf32, #tpu.memory_space<vmem>>) dst(%dma_wait3A_158 : memref<6272x256xf32, #tpu.memory_space<any>>)
    %dma_start3A_163 = arith.constant 1 : i32
    %dma_start3A_164 = arith.constant 1 : i32
    %dma_start3A_165 = tpu.memref_slice %arg3[%dma_start3A_164] : memref<4x!tpu.dma_semaphore, #tpu.memory_space<semaphore_mem>> -> memref<1x!tpu.dma_semaphore, #tpu.memory_space<semaphore_mem>>
    %dma_start3A_166 = tpu.memref_squeeze %dma_start3A_165 : memref<1x!tpu.dma_semaphore, #tpu.memory_space<semaphore_mem>> -> memref<!tpu.dma_semaphore, #tpu.memory_space<semaphore_mem>>
    %dma_start3A_167 = arith.constant 0 : i32
    %dma_start3A_168 = arith.constant 0 : i32
    %dma_start3A_169 = tpu.memref_slice %arg2[%dma_start3A_163, %dma_start3A_167, %dma_start3A_168] : memref<4x6272x256xf32, #tpu.memory_space<vmem>> -> memref<1x6272x256xf32, #tpu.memory_space<vmem>>
    %dma_start3A_170 = tpu.memref_squeeze %dma_start3A_169 : memref<1x6272x256xf32, #tpu.memory_space<vmem>> -> memref<6272x256xf32, #tpu.memory_space<vmem>>
    %dma_start3A_171 = arith.constant 31360 : i32
    %dma_start3A_172 = arith.constant 0 : i32
    %dma_start3A_173 = tpu.memref_slice %arg0[%dma_start3A_171, %dma_start3A_172] : memref<100352x256xf32, #tpu.memory_space<any>> -> memref<6272x256xf32, #tpu.memory_space<any>>
    tpu.enqueue_dma source(%dma_start3A_173 : memref<6272x256xf32, #tpu.memory_space<any>>) target(%dma_start3A_170 : memref<6272x256xf32, #tpu.memory_space<vmem>>) target_semaphore(%dma_start3A_166 : memref<!tpu.dma_semaphore, #tpu.memory_space<semaphore_mem>>)
    %dma_wait3A_174 = arith.constant 0 : i32
    %dma_wait3A_175 = arith.constant 0 : i32
    %dma_wait3A_176 = tpu.memref_slice %arg3[%dma_wait3A_175] : memref<4x!tpu.dma_semaphore, #tpu.memory_space<semaphore_mem>> -> memref<1x!tpu.dma_semaphore, #tpu.memory_space<semaphore_mem>>
    %dma_wait3A_177 = tpu.memref_squeeze %dma_wait3A_176 : memref<1x!tpu.dma_semaphore, #tpu.memory_space<semaphore_mem>> -> memref<!tpu.dma_semaphore, #tpu.memory_space<semaphore_mem>>
    %dma_wait3A_178 = arith.constant 0 : i32
    %dma_wait3A_179 = arith.constant 0 : i32
    %dma_wait3A_180 = tpu.memref_slice %arg2[%dma_wait3A_174, %dma_wait3A_178, %dma_wait3A_179] : memref<4x6272x256xf32, #tpu.memory_space<vmem>> -> memref<1x6272x256xf32, #tpu.memory_space<vmem>>
    %dma_wait3A_181 = tpu.memref_squeeze %dma_wait3A_180 : memref<1x6272x256xf32, #tpu.memory_space<vmem>> -> memref<6272x256xf32, #tpu.memory_space<vmem>>
    %dma_wait3A_182 = arith.constant 25088 : i32
    %dma_wait3A_183 = arith.constant 0 : i32
    %dma_wait3A_184 = tpu.memref_slice %arg0[%dma_wait3A_182, %dma_wait3A_183] : memref<100352x256xf32, #tpu.memory_space<any>> -> memref<6272x256xf32, #tpu.memory_space<any>>
    tpu.wait_dma2 semaphore(%dma_wait3A_177 : memref<!tpu.dma_semaphore, #tpu.memory_space<semaphore_mem>>) src(%dma_wait3A_184 : memref<6272x256xf32, #tpu.memory_space<any>>) dst(%dma_wait3A_181 : memref<6272x256xf32, #tpu.memory_space<vmem>>)
    %dma_start3A_185 = arith.constant 0 : i32
    %dma_start3A_186 = arith.constant 0 : i32
    %dma_start3A_187 = tpu.memref_slice %arg4[%dma_start3A_186] : memref<4x!tpu.dma_semaphore, #tpu.memory_space<semaphore_mem>> -> memref<1x!tpu.dma_semaphore, #tpu.memory_space<semaphore_mem>>
    %dma_start3A_188 = tpu.memref_squeeze %dma_start3A_187 : memref<1x!tpu.dma_semaphore, #tpu.memory_space<semaphore_mem>> -> memref<!tpu.dma_semaphore, #tpu.memory_space<semaphore_mem>>
    %dma_start3A_189 = arith.constant 25088 : i32
    %dma_start3A_190 = arith.constant 0 : i32
    %dma_start3A_191 = tpu.memref_slice %arg1[%dma_start3A_189, %dma_start3A_190] : memref<100352x256xf32, #tpu.memory_space<any>> -> memref<6272x256xf32, #tpu.memory_space<any>>
    %dma_start3A_192 = arith.constant 0 : i32
    %dma_start3A_193 = arith.constant 0 : i32
    %dma_start3A_194 = tpu.memref_slice %arg2[%dma_start3A_185, %dma_start3A_192, %dma_start3A_193] : memref<4x6272x256xf32, #tpu.memory_space<vmem>> -> memref<1x6272x256xf32, #tpu.memory_space<vmem>>
    %dma_start3A_195 = tpu.memref_squeeze %dma_start3A_194 : memref<1x6272x256xf32, #tpu.memory_space<vmem>> -> memref<6272x256xf32, #tpu.memory_space<vmem>>
    tpu.enqueue_dma source(%dma_start3A_195 : memref<6272x256xf32, #tpu.memory_space<vmem>>) target(%dma_start3A_191 : memref<6272x256xf32, #tpu.memory_space<any>>) target_semaphore(%dma_start3A_188 : memref<!tpu.dma_semaphore, #tpu.memory_space<semaphore_mem>>)
    %dma_wait3A_196 = arith.constant 2 : i32
    %dma_wait3A_197 = arith.constant 2 : i32
    %dma_wait3A_198 = tpu.memref_slice %arg4[%dma_wait3A_197] : memref<4x!tpu.dma_semaphore, #tpu.memory_space<semaphore_mem>> -> memref<1x!tpu.dma_semaphore, #tpu.memory_space<semaphore_mem>>
    %dma_wait3A_199 = tpu.memref_squeeze %dma_wait3A_198 : memref<1x!tpu.dma_semaphore, #tpu.memory_space<semaphore_mem>> -> memref<!tpu.dma_semaphore, #tpu.memory_space<semaphore_mem>>
    %dma_wait3A_200 = arith.constant 12544 : i32
    %dma_wait3A_201 = arith.constant 0 : i32
    %dma_wait3A_202 = tpu.memref_slice %arg1[%dma_wait3A_200, %dma_wait3A_201] : memref<100352x256xf32, #tpu.memory_space<any>> -> memref<6272x256xf32, #tpu.memory_space<any>>
    %dma_wait3A_203 = arith.constant 0 : i32
    %dma_wait3A_204 = arith.constant 0 : i32
    %dma_wait3A_205 = tpu.memref_slice %arg2[%dma_wait3A_196, %dma_wait3A_203, %dma_wait3A_204] : memref<4x6272x256xf32, #tpu.memory_space<vmem>> -> memref<1x6272x256xf32, #tpu.memory_space<vmem>>
    %dma_wait3A_206 = tpu.memref_squeeze %dma_wait3A_205 : memref<1x6272x256xf32, #tpu.memory_space<vmem>> -> memref<6272x256xf32, #tpu.memory_space<vmem>>
    tpu.wait_dma2 semaphore(%dma_wait3A_199 : memref<!tpu.dma_semaphore, #tpu.memory_space<semaphore_mem>>) src(%dma_wait3A_206 : memref<6272x256xf32, #tpu.memory_space<vmem>>) dst(%dma_wait3A_202 : memref<6272x256xf32, #tpu.memory_space<any>>)
    %dma_start3A_207 = arith.constant 2 : i32
    %dma_start3A_208 = arith.constant 2 : i32
    %dma_start3A_209 = tpu.memref_slice %arg3[%dma_start3A_208] : memref<4x!tpu.dma_semaphore, #tpu.memory_space<semaphore_mem>> -> memref<1x!tpu.dma_semaphore, #tpu.memory_space<semaphore_mem>>
    %dma_start3A_210 = tpu.memref_squeeze %dma_start3A_209 : memref<1x!tpu.dma_semaphore, #tpu.memory_space<semaphore_mem>> -> memref<!tpu.dma_semaphore, #tpu.memory_space<semaphore_mem>>
    %dma_start3A_211 = arith.constant 0 : i32
    %dma_start3A_212 = arith.constant 0 : i32
    %dma_start3A_213 = tpu.memref_slice %arg2[%dma_start3A_207, %dma_start3A_211, %dma_start3A_212] : memref<4x6272x256xf32, #tpu.memory_space<vmem>> -> memref<1x6272x256xf32, #tpu.memory_space<vmem>>
    %dma_start3A_214 = tpu.memref_squeeze %dma_start3A_213 : memref<1x6272x256xf32, #tpu.memory_space<vmem>> -> memref<6272x256xf32, #tpu.memory_space<vmem>>
    %dma_start3A_215 = arith.constant 37632 : i32
    %dma_start3A_216 = arith.constant 0 : i32
    %dma_start3A_217 = tpu.memref_slice %arg0[%dma_start3A_215, %dma_start3A_216] : memref<100352x256xf32, #tpu.memory_space<any>> -> memref<6272x256xf32, #tpu.memory_space<any>>
    tpu.enqueue_dma source(%dma_start3A_217 : memref<6272x256xf32, #tpu.memory_space<any>>) target(%dma_start3A_214 : memref<6272x256xf32, #tpu.memory_space<vmem>>) target_semaphore(%dma_start3A_210 : memref<!tpu.dma_semaphore, #tpu.memory_space<semaphore_mem>>)
    %dma_wait3A_218 = arith.constant 1 : i32
    %dma_wait3A_219 = arith.constant 1 : i32
    %dma_wait3A_220 = tpu.memref_slice %arg3[%dma_wait3A_219] : memref<4x!tpu.dma_semaphore, #tpu.memory_space<semaphore_mem>> -> memref<1x!tpu.dma_semaphore, #tpu.memory_space<semaphore_mem>>
    %dma_wait3A_221 = tpu.memref_squeeze %dma_wait3A_220 : memref<1x!tpu.dma_semaphore, #tpu.memory_space<semaphore_mem>> -> memref<!tpu.dma_semaphore, #tpu.memory_space<semaphore_mem>>
    %dma_wait3A_222 = arith.constant 0 : i32
    %dma_wait3A_223 = arith.constant 0 : i32
    %dma_wait3A_224 = tpu.memref_slice %arg2[%dma_wait3A_218, %dma_wait3A_222, %dma_wait3A_223] : memref<4x6272x256xf32, #tpu.memory_space<vmem>> -> memref<1x6272x256xf32, #tpu.memory_space<vmem>>
    %dma_wait3A_225 = tpu.memref_squeeze %dma_wait3A_224 : memref<1x6272x256xf32, #tpu.memory_space<vmem>> -> memref<6272x256xf32, #tpu.memory_space<vmem>>
    %dma_wait3A_226 = arith.constant 31360 : i32
    %dma_wait3A_227 = arith.constant 0 : i32
    %dma_wait3A_228 = tpu.memref_slice %arg0[%dma_wait3A_226, %dma_wait3A_227] : memref<100352x256xf32, #tpu.memory_space<any>> -> memref<6272x256xf32, #tpu.memory_space<any>>
    tpu.wait_dma2 semaphore(%dma_wait3A_221 : memref<!tpu.dma_semaphore, #tpu.memory_space<semaphore_mem>>) src(%dma_wait3A_228 : memref<6272x256xf32, #tpu.memory_space<any>>) dst(%dma_wait3A_225 : memref<6272x256xf32, #tpu.memory_space<vmem>>)
    %dma_start3A_229 = arith.constant 1 : i32
    %dma_start3A_230 = arith.constant 1 : i32
    %dma_start3A_231 = tpu.memref_slice %arg4[%dma_start3A_230] : memref<4x!tpu.dma_semaphore, #tpu.memory_space<semaphore_mem>> -> memref<1x!tpu.dma_semaphore, #tpu.memory_space<semaphore_mem>>
    %dma_start3A_232 = tpu.memref_squeeze %dma_start3A_231 : memref<1x!tpu.dma_semaphore, #tpu.memory_space<semaphore_mem>> -> memref<!tpu.dma_semaphore, #tpu.memory_space<semaphore_mem>>
    %dma_start3A_233 = arith.constant 31360 : i32
    %dma_start3A_234 = arith.constant 0 : i32
    %dma_start3A_235 = tpu.memref_slice %arg1[%dma_start3A_233, %dma_start3A_234] : memref<100352x256xf32, #tpu.memory_space<any>> -> memref<6272x256xf32, #tpu.memory_space<any>>
    %dma_start3A_236 = arith.constant 0 : i32
    %dma_start3A_237 = arith.constant 0 : i32
    %dma_start3A_238 = tpu.memref_slice %arg2[%dma_start3A_229, %dma_start3A_236, %dma_start3A_237] : memref<4x6272x256xf32, #tpu.memory_space<vmem>> -> memref<1x6272x256xf32, #tpu.memory_space<vmem>>
    %dma_start3A_239 = tpu.memref_squeeze %dma_start3A_238 : memref<1x6272x256xf32, #tpu.memory_space<vmem>> -> memref<6272x256xf32, #tpu.memory_space<vmem>>
    tpu.enqueue_dma source(%dma_start3A_239 : memref<6272x256xf32, #tpu.memory_space<vmem>>) target(%dma_start3A_235 : memref<6272x256xf32, #tpu.memory_space<any>>) target_semaphore(%dma_start3A_232 : memref<!tpu.dma_semaphore, #tpu.memory_space<semaphore_mem>>)
    %dma_wait3A_240 = arith.constant 3 : i32
    %dma_wait3A_241 = arith.constant 3 : i32
    %dma_wait3A_242 = tpu.memref_slice %arg4[%dma_wait3A_241] : memref<4x!tpu.dma_semaphore, #tpu.memory_space<semaphore_mem>> -> memref<1x!tpu.dma_semaphore, #tpu.memory_space<semaphore_mem>>
    %dma_wait3A_243 = tpu.memref_squeeze %dma_wait3A_242 : memref<1x!tpu.dma_semaphore, #tpu.memory_space<semaphore_mem>> -> memref<!tpu.dma_semaphore, #tpu.memory_space<semaphore_mem>>
    %dma_wait3A_244 = arith.constant 18816 : i32
    %dma_wait3A_245 = arith.constant 0 : i32
    %dma_wait3A_246 = tpu.memref_slice %arg1[%dma_wait3A_244, %dma_wait3A_245] : memref<100352x256xf32, #tpu.memory_space<any>> -> memref<6272x256xf32, #tpu.memory_space<any>>
    %dma_wait3A_247 = arith.constant 0 : i32
    %dma_wait3A_248 = arith.constant 0 : i32
    %dma_wait3A_249 = tpu.memref_slice %arg2[%dma_wait3A_240, %dma_wait3A_247, %dma_wait3A_248] : memref<4x6272x256xf32, #tpu.memory_space<vmem>> -> memref<1x6272x256xf32, #tpu.memory_space<vmem>>
    %dma_wait3A_250 = tpu.memref_squeeze %dma_wait3A_249 : memref<1x6272x256xf32, #tpu.memory_space<vmem>> -> memref<6272x256xf32, #tpu.memory_space<vmem>>
    tpu.wait_dma2 semaphore(%dma_wait3A_243 : memref<!tpu.dma_semaphore, #tpu.memory_space<semaphore_mem>>) src(%dma_wait3A_250 : memref<6272x256xf32, #tpu.memory_space<vmem>>) dst(%dma_wait3A_246 : memref<6272x256xf32, #tpu.memory_space<any>>)
    %dma_start3A_251 = arith.constant 3 : i32
    %dma_start3A_252 = arith.constant 3 : i32
    %dma_start3A_253 = tpu.memref_slice %arg3[%dma_start3A_252] : memref<4x!tpu.dma_semaphore, #tpu.memory_space<semaphore_mem>> -> memref<1x!tpu.dma_semaphore, #tpu.memory_space<semaphore_mem>>
    %dma_start3A_254 = tpu.memref_squeeze %dma_start3A_253 : memref<1x!tpu.dma_semaphore, #tpu.memory_space<semaphore_mem>> -> memref<!tpu.dma_semaphore, #tpu.memory_space<semaphore_mem>>
    %dma_start3A_255 = arith.constant 0 : i32
    %dma_start3A_256 = arith.constant 0 : i32
    %dma_start3A_257 = tpu.memref_slice %arg2[%dma_start3A_251, %dma_start3A_255, %dma_start3A_256] : memref<4x6272x256xf32, #tpu.memory_space<vmem>> -> memref<1x6272x256xf32, #tpu.memory_space<vmem>>
    %dma_start3A_258 = tpu.memref_squeeze %dma_start3A_257 : memref<1x6272x256xf32, #tpu.memory_space<vmem>> -> memref<6272x256xf32, #tpu.memory_space<vmem>>
    %dma_start3A_259 = arith.constant 43904 : i32
    %dma_start3A_260 = arith.constant 0 : i32
    %dma_start3A_261 = tpu.memref_slice %arg0[%dma_start3A_259, %dma_start3A_260] : memref<100352x256xf32, #tpu.memory_space<any>> -> memref<6272x256xf32, #tpu.memory_space<any>>
    tpu.enqueue_dma source(%dma_start3A_261 : memref<6272x256xf32, #tpu.memory_space<any>>) target(%dma_start3A_258 : memref<6272x256xf32, #tpu.memory_space<vmem>>) target_semaphore(%dma_start3A_254 : memref<!tpu.dma_semaphore, #tpu.memory_space<semaphore_mem>>)
    %dma_wait3A_262 = arith.constant 2 : i32
    %dma_wait3A_263 = arith.constant 2 : i32
    %dma_wait3A_264 = tpu.memref_slice %arg3[%dma_wait3A_263] : memref<4x!tpu.dma_semaphore, #tpu.memory_space<semaphore_mem>> -> memref<1x!tpu.dma_semaphore, #tpu.memory_space<semaphore_mem>>
    %dma_wait3A_265 = tpu.memref_squeeze %dma_wait3A_264 : memref<1x!tpu.dma_semaphore, #tpu.memory_space<semaphore_mem>> -> memref<!tpu.dma_semaphore, #tpu.memory_space<semaphore_mem>>
    %dma_wait3A_266 = arith.constant 0 : i32
    %dma_wait3A_267 = arith.constant 0 : i32
    %dma_wait3A_268 = tpu.memref_slice %arg2[%dma_wait3A_262, %dma_wait3A_266, %dma_wait3A_267] : memref<4x6272x256xf32, #tpu.memory_space<vmem>> -> memref<1x6272x256xf32, #tpu.memory_space<vmem>>
    %dma_wait3A_269 = tpu.memref_squeeze %dma_wait3A_268 : memref<1x6272x256xf32, #tpu.memory_space<vmem>> -> memref<6272x256xf32, #tpu.memory_space<vmem>>
    %dma_wait3A_270 = arith.constant 37632 : i32
    %dma_wait3A_271 = arith.constant 0 : i32
    %dma_wait3A_272 = tpu.memref_slice %arg0[%dma_wait3A_270, %dma_wait3A_271] : memref<100352x256xf32, #tpu.memory_space<any>> -> memref<6272x256xf32, #tpu.memory_space<any>>
    tpu.wait_dma2 semaphore(%dma_wait3A_265 : memref<!tpu.dma_semaphore, #tpu.memory_space<semaphore_mem>>) src(%dma_wait3A_272 : memref<6272x256xf32, #tpu.memory_space<any>>) dst(%dma_wait3A_269 : memref<6272x256xf32, #tpu.memory_space<vmem>>)
    %dma_start3A_273 = arith.constant 2 : i32
    %dma_start3A_274 = arith.constant 2 : i32
    %dma_start3A_275 = tpu.memref_slice %arg4[%dma_start3A_274] : memref<4x!tpu.dma_semaphore, #tpu.memory_space<semaphore_mem>> -> memref<1x!tpu.dma_semaphore, #tpu.memory_space<semaphore_mem>>
    %dma_start3A_276 = tpu.memref_squeeze %dma_start3A_275 : memref<1x!tpu.dma_semaphore, #tpu.memory_space<semaphore_mem>> -> memref<!tpu.dma_semaphore, #tpu.memory_space<semaphore_mem>>
    %dma_start3A_277 = arith.constant 37632 : i32
    %dma_start3A_278 = arith.constant 0 : i32
    %dma_start3A_279 = tpu.memref_slice %arg1[%dma_start3A_277, %dma_start3A_278] : memref<100352x256xf32, #tpu.memory_space<any>> -> memref<6272x256xf32, #tpu.memory_space<any>>
    %dma_start3A_280 = arith.constant 0 : i32
    %dma_start3A_281 = arith.constant 0 : i32
    %dma_start3A_282 = tpu.memref_slice %arg2[%dma_start3A_273, %dma_start3A_280, %dma_start3A_281] : memref<4x6272x256xf32, #tpu.memory_space<vmem>> -> memref<1x6272x256xf32, #tpu.memory_space<vmem>>
    %dma_start3A_283 = tpu.memref_squeeze %dma_start3A_282 : memref<1x6272x256xf32, #tpu.memory_space<vmem>> -> memref<6272x256xf32, #tpu.memory_space<vmem>>
    tpu.enqueue_dma source(%dma_start3A_283 : memref<6272x256xf32, #tpu.memory_space<vmem>>) target(%dma_start3A_279 : memref<6272x256xf32, #tpu.memory_space<any>>) target_semaphore(%dma_start3A_276 : memref<!tpu.dma_semaphore, #tpu.memory_space<semaphore_mem>>)
    %dma_wait3A_284 = arith.constant 0 : i32
    %dma_wait3A_285 = arith.constant 0 : i32
    %dma_wait3A_286 = tpu.memref_slice %arg4[%dma_wait3A_285] : memref<4x!tpu.dma_semaphore, #tpu.memory_space<semaphore_mem>> -> memref<1x!tpu.dma_semaphore, #tpu.memory_space<semaphore_mem>>
    %dma_wait3A_287 = tpu.memref_squeeze %dma_wait3A_286 : memref<1x!tpu.dma_semaphore, #tpu.memory_space<semaphore_mem>> -> memref<!tpu.dma_semaphore, #tpu.memory_space<semaphore_mem>>
    %dma_wait3A_288 = arith.constant 25088 : i32
    %dma_wait3A_289 = arith.constant 0 : i32
    %dma_wait3A_290 = tpu.memref_slice %arg1[%dma_wait3A_288, %dma_wait3A_289] : memref<100352x256xf32, #tpu.memory_space<any>> -> memref<6272x256xf32, #tpu.memory_space<any>>
    %dma_wait3A_291 = arith.constant 0 : i32
    %dma_wait3A_292 = arith.constant 0 : i32
    %dma_wait3A_293 = tpu.memref_slice %arg2[%dma_wait3A_284, %dma_wait3A_291, %dma_wait3A_292] : memref<4x6272x256xf32, #tpu.memory_space<vmem>> -> memref<1x6272x256xf32, #tpu.memory_space<vmem>>
    %dma_wait3A_294 = tpu.memref_squeeze %dma_wait3A_293 : memref<1x6272x256xf32, #tpu.memory_space<vmem>> -> memref<6272x256xf32, #tpu.memory_space<vmem>>
    tpu.wait_dma2 semaphore(%dma_wait3A_287 : memref<!tpu.dma_semaphore, #tpu.memory_space<semaphore_mem>>) src(%dma_wait3A_294 : memref<6272x256xf32, #tpu.memory_space<vmem>>) dst(%dma_wait3A_290 : memref<6272x256xf32, #tpu.memory_space<any>>)
    %dma_start3A_295 = arith.constant 0 : i32
    %dma_start3A_296 = arith.constant 0 : i32
    %dma_start3A_297 = tpu.memref_slice %arg3[%dma_start3A_296] : memref<4x!tpu.dma_semaphore, #tpu.memory_space<semaphore_mem>> -> memref<1x!tpu.dma_semaphore, #tpu.memory_space<semaphore_mem>>
    %dma_start3A_298 = tpu.memref_squeeze %dma_start3A_297 : memref<1x!tpu.dma_semaphore, #tpu.memory_space<semaphore_mem>> -> memref<!tpu.dma_semaphore, #tpu.memory_space<semaphore_mem>>
    %dma_start3A_299 = arith.constant 0 : i32
    %dma_start3A_300 = arith.constant 0 : i32
    %dma_start3A_301 = tpu.memref_slice %arg2[%dma_start3A_295, %dma_start3A_299, %dma_start3A_300] : memref<4x6272x256xf32, #tpu.memory_space<vmem>> -> memref<1x6272x256xf32, #tpu.memory_space<vmem>>
    %dma_start3A_302 = tpu.memref_squeeze %dma_start3A_301 : memref<1x6272x256xf32, #tpu.memory_space<vmem>> -> memref<6272x256xf32, #tpu.memory_space<vmem>>
    %dma_start3A_303 = arith.constant 50176 : i32
    %dma_start3A_304 = arith.constant 0 : i32
    %dma_start3A_305 = tpu.memref_slice %arg0[%dma_start3A_303, %dma_start3A_304] : memref<100352x256xf32, #tpu.memory_space<any>> -> memref<6272x256xf32, #tpu.memory_space<any>>
    tpu.enqueue_dma source(%dma_start3A_305 : memref<6272x256xf32, #tpu.memory_space<any>>) target(%dma_start3A_302 : memref<6272x256xf32, #tpu.memory_space<vmem>>) target_semaphore(%dma_start3A_298 : memref<!tpu.dma_semaphore, #tpu.memory_space<semaphore_mem>>)
    %dma_wait3A_306 = arith.constant 3 : i32
    %dma_wait3A_307 = arith.constant 3 : i32
    %dma_wait3A_308 = tpu.memref_slice %arg3[%dma_wait3A_307] : memref<4x!tpu.dma_semaphore, #tpu.memory_space<semaphore_mem>> -> memref<1x!tpu.dma_semaphore, #tpu.memory_space<semaphore_mem>>
    %dma_wait3A_309 = tpu.memref_squeeze %dma_wait3A_308 : memref<1x!tpu.dma_semaphore, #tpu.memory_space<semaphore_mem>> -> memref<!tpu.dma_semaphore, #tpu.memory_space<semaphore_mem>>
    %dma_wait3A_310 = arith.constant 0 : i32
    %dma_wait3A_311 = arith.constant 0 : i32
    %dma_wait3A_312 = tpu.memref_slice %arg2[%dma_wait3A_306, %dma_wait3A_310, %dma_wait3A_311] : memref<4x6272x256xf32, #tpu.memory_space<vmem>> -> memref<1x6272x256xf32, #tpu.memory_space<vmem>>
    %dma_wait3A_313 = tpu.memref_squeeze %dma_wait3A_312 : memref<1x6272x256xf32, #tpu.memory_space<vmem>> -> memref<6272x256xf32, #tpu.memory_space<vmem>>
    %dma_wait3A_314 = arith.constant 43904 : i32
    %dma_wait3A_315 = arith.constant 0 : i32
    %dma_wait3A_316 = tpu.memref_slice %arg0[%dma_wait3A_314, %dma_wait3A_315] : memref<100352x256xf32, #tpu.memory_space<any>> -> memref<6272x256xf32, #tpu.memory_space<any>>
    tpu.wait_dma2 semaphore(%dma_wait3A_309 : memref<!tpu.dma_semaphore, #tpu.memory_space<semaphore_mem>>) src(%dma_wait3A_316 : memref<6272x256xf32, #tpu.memory_space<any>>) dst(%dma_wait3A_313 : memref<6272x256xf32, #tpu.memory_space<vmem>>)
    %dma_start3A_317 = arith.constant 3 : i32
    %dma_start3A_318 = arith.constant 3 : i32
    %dma_start3A_319 = tpu.memref_slice %arg4[%dma_start3A_318] : memref<4x!tpu.dma_semaphore, #tpu.memory_space<semaphore_mem>> -> memref<1x!tpu.dma_semaphore, #tpu.memory_space<semaphore_mem>>
    %dma_start3A_320 = tpu.memref_squeeze %dma_start3A_319 : memref<1x!tpu.dma_semaphore, #tpu.memory_space<semaphore_mem>> -> memref<!tpu.dma_semaphore, #tpu.memory_space<semaphore_mem>>
    %dma_start3A_321 = arith.constant 43904 : i32
    %dma_start3A_322 = arith.constant 0 : i32
    %dma_start3A_323 = tpu.memref_slice %arg1[%dma_start3A_321, %dma_start3A_322] : memref<100352x256xf32, #tpu.memory_space<any>> -> memref<6272x256xf32, #tpu.memory_space<any>>
    %dma_start3A_324 = arith.constant 0 : i32
    %dma_start3A_325 = arith.constant 0 : i32
    %dma_start3A_326 = tpu.memref_slice %arg2[%dma_start3A_317, %dma_start3A_324, %dma_start3A_325] : memref<4x6272x256xf32, #tpu.memory_space<vmem>> -> memref<1x6272x256xf32, #tpu.memory_space<vmem>>
    %dma_start3A_327 = tpu.memref_squeeze %dma_start3A_326 : memref<1x6272x256xf32, #tpu.memory_space<vmem>> -> memref<6272x256xf32, #tpu.memory_space<vmem>>
    tpu.enqueue_dma source(%dma_start3A_327 : memref<6272x256xf32, #tpu.memory_space<vmem>>) target(%dma_start3A_323 : memref<6272x256xf32, #tpu.memory_space<any>>) target_semaphore(%dma_start3A_320 : memref<!tpu.dma_semaphore, #tpu.memory_space<semaphore_mem>>)
    %dma_wait3A_328 = arith.constant 1 : i32
    %dma_wait3A_329 = arith.constant 1 : i32
    %dma_wait3A_330 = tpu.memref_slice %arg4[%dma_wait3A_329] : memref<4x!tpu.dma_semaphore, #tpu.memory_space<semaphore_mem>> -> memref<1x!tpu.dma_semaphore, #tpu.memory_space<semaphore_mem>>
    %dma_wait3A_331 = tpu.memref_squeeze %dma_wait3A_330 : memref<1x!tpu.dma_semaphore, #tpu.memory_space<semaphore_mem>> -> memref<!tpu.dma_semaphore, #tpu.memory_space<semaphore_mem>>
    %dma_wait3A_332 = arith.constant 31360 : i32
    %dma_wait3A_333 = arith.constant 0 : i32
    %dma_wait3A_334 = tpu.memref_slice %arg1[%dma_wait3A_332, %dma_wait3A_333] : memref<100352x256xf32, #tpu.memory_space<any>> -> memref<6272x256xf32, #tpu.memory_space<any>>
    %dma_wait3A_335 = arith.constant 0 : i32
    %dma_wait3A_336 = arith.constant 0 : i32
    %dma_wait3A_337 = tpu.memref_slice %arg2[%dma_wait3A_328, %dma_wait3A_335, %dma_wait3A_336] : memref<4x6272x256xf32, #tpu.memory_space<vmem>> -> memref<1x6272x256xf32, #tpu.memory_space<vmem>>
    %dma_wait3A_338 = tpu.memref_squeeze %dma_wait3A_337 : memref<1x6272x256xf32, #tpu.memory_space<vmem>> -> memref<6272x256xf32, #tpu.memory_space<vmem>>
    tpu.wait_dma2 semaphore(%dma_wait3A_331 : memref<!tpu.dma_semaphore, #tpu.memory_space<semaphore_mem>>) src(%dma_wait3A_338 : memref<6272x256xf32, #tpu.memory_space<vmem>>) dst(%dma_wait3A_334 : memref<6272x256xf32, #tpu.memory_space<any>>)
    %dma_start3A_339 = arith.constant 1 : i32
    %dma_start3A_340 = arith.constant 1 : i32
    %dma_start3A_341 = tpu.memref_slice %arg3[%dma_start3A_340] : memref<4x!tpu.dma_semaphore, #tpu.memory_space<semaphore_mem>> -> memref<1x!tpu.dma_semaphore, #tpu.memory_space<semaphore_mem>>
    %dma_start3A_342 = tpu.memref_squeeze %dma_start3A_341 : memref<1x!tpu.dma_semaphore, #tpu.memory_space<semaphore_mem>> -> memref<!tpu.dma_semaphore, #tpu.memory_space<semaphore_mem>>
    %dma_start3A_343 = arith.constant 0 : i32
    %dma_start3A_344 = arith.constant 0 : i32
    %dma_start3A_345 = tpu.memref_slice %arg2[%dma_start3A_339, %dma_start3A_343, %dma_start3A_344] : memref<4x6272x256xf32, #tpu.memory_space<vmem>> -> memref<1x6272x256xf32, #tpu.memory_space<vmem>>
    %dma_start3A_346 = tpu.memref_squeeze %dma_start3A_345 : memref<1x6272x256xf32, #tpu.memory_space<vmem>> -> memref<6272x256xf32, #tpu.memory_space<vmem>>
    %dma_start3A_347 = arith.constant 56448 : i32
    %dma_start3A_348 = arith.constant 0 : i32
    %dma_start3A_349 = tpu.memref_slice %arg0[%dma_start3A_347, %dma_start3A_348] : memref<100352x256xf32, #tpu.memory_space<any>> -> memref<6272x256xf32, #tpu.memory_space<any>>
    tpu.enqueue_dma source(%dma_start3A_349 : memref<6272x256xf32, #tpu.memory_space<any>>) target(%dma_start3A_346 : memref<6272x256xf32, #tpu.memory_space<vmem>>) target_semaphore(%dma_start3A_342 : memref<!tpu.dma_semaphore, #tpu.memory_space<semaphore_mem>>)
    %dma_wait3A_350 = arith.constant 0 : i32
    %dma_wait3A_351 = arith.constant 0 : i32
    %dma_wait3A_352 = tpu.memref_slice %arg3[%dma_wait3A_351] : memref<4x!tpu.dma_semaphore, #tpu.memory_space<semaphore_mem>> -> memref<1x!tpu.dma_semaphore, #tpu.memory_space<semaphore_mem>>
    %dma_wait3A_353 = tpu.memref_squeeze %dma_wait3A_352 : memref<1x!tpu.dma_semaphore, #tpu.memory_space<semaphore_mem>> -> memref<!tpu.dma_semaphore, #tpu.memory_space<semaphore_mem>>
    %dma_wait3A_354 = arith.constant 0 : i32
    %dma_wait3A_355 = arith.constant 0 : i32
    %dma_wait3A_356 = tpu.memref_slice %arg2[%dma_wait3A_350, %dma_wait3A_354, %dma_wait3A_355] : memref<4x6272x256xf32, #tpu.memory_space<vmem>> -> memref<1x6272x256xf32, #tpu.memory_space<vmem>>
    %dma_wait3A_357 = tpu.memref_squeeze %dma_wait3A_356 : memref<1x6272x256xf32, #tpu.memory_space<vmem>> -> memref<6272x256xf32, #tpu.memory_space<vmem>>
    %dma_wait3A_358 = arith.constant 50176 : i32
    %dma_wait3A_359 = arith.constant 0 : i32
    %dma_wait3A_360 = tpu.memref_slice %arg0[%dma_wait3A_358, %dma_wait3A_359] : memref<100352x256xf32, #tpu.memory_space<any>> -> memref<6272x256xf32, #tpu.memory_space<any>>
    tpu.wait_dma2 semaphore(%dma_wait3A_353 : memref<!tpu.dma_semaphore, #tpu.memory_space<semaphore_mem>>) src(%dma_wait3A_360 : memref<6272x256xf32, #tpu.memory_space<any>>) dst(%dma_wait3A_357 : memref<6272x256xf32, #tpu.memory_space<vmem>>)
    %dma_start3A_361 = arith.constant 0 : i32
    %dma_start3A_362 = arith.constant 0 : i32
    %dma_start3A_363 = tpu.memref_slice %arg4[%dma_start3A_362] : memref<4x!tpu.dma_semaphore, #tpu.memory_space<semaphore_mem>> -> memref<1x!tpu.dma_semaphore, #tpu.memory_space<semaphore_mem>>
    %dma_start3A_364 = tpu.memref_squeeze %dma_start3A_363 : memref<1x!tpu.dma_semaphore, #tpu.memory_space<semaphore_mem>> -> memref<!tpu.dma_semaphore, #tpu.memory_space<semaphore_mem>>
    %dma_start3A_365 = arith.constant 50176 : i32
    %dma_start3A_366 = arith.constant 0 : i32
    %dma_start3A_367 = tpu.memref_slice %arg1[%dma_start3A_365, %dma_start3A_366] : memref<100352x256xf32, #tpu.memory_space<any>> -> memref<6272x256xf32, #tpu.memory_space<any>>
    %dma_start3A_368 = arith.constant 0 : i32
    %dma_start3A_369 = arith.constant 0 : i32
    %dma_start3A_370 = tpu.memref_slice %arg2[%dma_start3A_361, %dma_start3A_368, %dma_start3A_369] : memref<4x6272x256xf32, #tpu.memory_space<vmem>> -> memref<1x6272x256xf32, #tpu.memory_space<vmem>>
    %dma_start3A_371 = tpu.memref_squeeze %dma_start3A_370 : memref<1x6272x256xf32, #tpu.memory_space<vmem>> -> memref<6272x256xf32, #tpu.memory_space<vmem>>
    tpu.enqueue_dma source(%dma_start3A_371 : memref<6272x256xf32, #tpu.memory_space<vmem>>) target(%dma_start3A_367 : memref<6272x256xf32, #tpu.memory_space<any>>) target_semaphore(%dma_start3A_364 : memref<!tpu.dma_semaphore, #tpu.memory_space<semaphore_mem>>)
    %dma_wait3A_372 = arith.constant 1 : i32
    %dma_wait3A_373 = arith.constant 1 : i32
    %dma_wait3A_374 = tpu.memref_slice %arg3[%dma_wait3A_373] : memref<4x!tpu.dma_semaphore, #tpu.memory_space<semaphore_mem>> -> memref<1x!tpu.dma_semaphore, #tpu.memory_space<semaphore_mem>>
    %dma_wait3A_375 = tpu.memref_squeeze %dma_wait3A_374 : memref<1x!tpu.dma_semaphore, #tpu.memory_space<semaphore_mem>> -> memref<!tpu.dma_semaphore, #tpu.memory_space<semaphore_mem>>
    %dma_wait3A_376 = arith.constant 0 : i32
    %dma_wait3A_377 = arith.constant 0 : i32
    %dma_wait3A_378 = tpu.memref_slice %arg2[%dma_wait3A_372, %dma_wait3A_376, %dma_wait3A_377] : memref<4x6272x256xf32, #tpu.memory_space<vmem>> -> memref<1x6272x256xf32, #tpu.memory_space<vmem>>
    %dma_wait3A_379 = tpu.memref_squeeze %dma_wait3A_378 : memref<1x6272x256xf32, #tpu.memory_space<vmem>> -> memref<6272x256xf32, #tpu.memory_space<vmem>>
    %dma_wait3A_380 = arith.constant 56448 : i32
    %dma_wait3A_381 = arith.constant 0 : i32
    %dma_wait3A_382 = tpu.memref_slice %arg0[%dma_wait3A_380, %dma_wait3A_381] : memref<100352x256xf32, #tpu.memory_space<any>> -> memref<6272x256xf32, #tpu.memory_space<any>>
    tpu.wait_dma2 semaphore(%dma_wait3A_375 : memref<!tpu.dma_semaphore, #tpu.memory_space<semaphore_mem>>) src(%dma_wait3A_382 : memref<6272x256xf32, #tpu.memory_space<any>>) dst(%dma_wait3A_379 : memref<6272x256xf32, #tpu.memory_space<vmem>>)
    %dma_start3A_383 = arith.constant 1 : i32
    %dma_start3A_384 = arith.constant 1 : i32
    %dma_start3A_385 = tpu.memref_slice %arg4[%dma_start3A_384] : memref<4x!tpu.dma_semaphore, #tpu.memory_space<semaphore_mem>> -> memref<1x!tpu.dma_semaphore, #tpu.memory_space<semaphore_mem>>
    %dma_start3A_386 = tpu.memref_squeeze %dma_start3A_385 : memref<1x!tpu.dma_semaphore, #tpu.memory_space<semaphore_mem>> -> memref<!tpu.dma_semaphore, #tpu.memory_space<semaphore_mem>>
    %dma_start3A_387 = arith.constant 56448 : i32
    %dma_start3A_388 = arith.constant 0 : i32
    %dma_start3A_389 = tpu.memref_slice %arg1[%dma_start3A_387, %dma_start3A_388] : memref<100352x256xf32, #tpu.memory_space<any>> -> memref<6272x256xf32, #tpu.memory_space<any>>
    %dma_start3A_390 = arith.constant 0 : i32
    %dma_start3A_391 = arith.constant 0 : i32
    %dma_start3A_392 = tpu.memref_slice %arg2[%dma_start3A_383, %dma_start3A_390, %dma_start3A_391] : memref<4x6272x256xf32, #tpu.memory_space<vmem>> -> memref<1x6272x256xf32, #tpu.memory_space<vmem>>
    %dma_start3A_393 = tpu.memref_squeeze %dma_start3A_392 : memref<1x6272x256xf32, #tpu.memory_space<vmem>> -> memref<6272x256xf32, #tpu.memory_space<vmem>>
    tpu.enqueue_dma source(%dma_start3A_393 : memref<6272x256xf32, #tpu.memory_space<vmem>>) target(%dma_start3A_389 : memref<6272x256xf32, #tpu.memory_space<any>>) target_semaphore(%dma_start3A_386 : memref<!tpu.dma_semaphore, #tpu.memory_space<semaphore_mem>>)
    %dma_wait3A_394 = arith.constant 2 : i32
    %dma_wait3A_395 = arith.constant 2 : i32
    %dma_wait3A_396 = tpu.memref_slice %arg4[%dma_wait3A_395] : memref<4x!tpu.dma_semaphore, #tpu.memory_space<semaphore_mem>> -> memref<1x!tpu.dma_semaphore, #tpu.memory_space<semaphore_mem>>
    %dma_wait3A_397 = tpu.memref_squeeze %dma_wait3A_396 : memref<1x!tpu.dma_semaphore, #tpu.memory_space<semaphore_mem>> -> memref<!tpu.dma_semaphore, #tpu.memory_space<semaphore_mem>>
    %dma_wait3A_398 = arith.constant 37632 : i32
    %dma_wait3A_399 = arith.constant 0 : i32
    %dma_wait3A_400 = tpu.memref_slice %arg1[%dma_wait3A_398, %dma_wait3A_399] : memref<100352x256xf32, #tpu.memory_space<any>> -> memref<6272x256xf32, #tpu.memory_space<any>>
    %dma_wait3A_401 = arith.constant 0 : i32
    %dma_wait3A_402 = arith.constant 0 : i32
    %dma_wait3A_403 = tpu.memref_slice %arg2[%dma_wait3A_394, %dma_wait3A_401, %dma_wait3A_402] : memref<4x6272x256xf32, #tpu.memory_space<vmem>> -> memref<1x6272x256xf32, #tpu.memory_space<vmem>>
    %dma_wait3A_404 = tpu.memref_squeeze %dma_wait3A_403 : memref<1x6272x256xf32, #tpu.memory_space<vmem>> -> memref<6272x256xf32, #tpu.memory_space<vmem>>
    tpu.wait_dma2 semaphore(%dma_wait3A_397 : memref<!tpu.dma_semaphore, #tpu.memory_space<semaphore_mem>>) src(%dma_wait3A_404 : memref<6272x256xf32, #tpu.memory_space<vmem>>) dst(%dma_wait3A_400 : memref<6272x256xf32, #tpu.memory_space<any>>)
    %dma_wait3A_405 = arith.constant 3 : i32
    %dma_wait3A_406 = arith.constant 3 : i32
    %dma_wait3A_407 = tpu.memref_slice %arg4[%dma_wait3A_406] : memref<4x!tpu.dma_semaphore, #tpu.memory_space<semaphore_mem>> -> memref<1x!tpu.dma_semaphore, #tpu.memory_space<semaphore_mem>>
    %dma_wait3A_408 = tpu.memref_squeeze %dma_wait3A_407 : memref<1x!tpu.dma_semaphore, #tpu.memory_space<semaphore_mem>> -> memref<!tpu.dma_semaphore, #tpu.memory_space<semaphore_mem>>
    %dma_wait3A_409 = arith.constant 43904 : i32
    %dma_wait3A_410 = arith.constant 0 : i32
    %dma_wait3A_411 = tpu.memref_slice %arg1[%dma_wait3A_409, %dma_wait3A_410] : memref<100352x256xf32, #tpu.memory_space<any>> -> memref<6272x256xf32, #tpu.memory_space<any>>
    %dma_wait3A_412 = arith.constant 0 : i32
    %dma_wait3A_413 = arith.constant 0 : i32
    %dma_wait3A_414 = tpu.memref_slice %arg2[%dma_wait3A_405, %dma_wait3A_412, %dma_wait3A_413] : memref<4x6272x256xf32, #tpu.memory_space<vmem>> -> memref<1x6272x256xf32, #tpu.memory_space<vmem>>
    %dma_wait3A_415 = tpu.memref_squeeze %dma_wait3A_414 : memref<1x6272x256xf32, #tpu.memory_space<vmem>> -> memref<6272x256xf32, #tpu.memory_space<vmem>>
    tpu.wait_dma2 semaphore(%dma_wait3A_408 : memref<!tpu.dma_semaphore, #tpu.memory_space<semaphore_mem>>) src(%dma_wait3A_415 : memref<6272x256xf32, #tpu.memory_space<vmem>>) dst(%dma_wait3A_411 : memref<6272x256xf32, #tpu.memory_space<any>>)
    %dma_wait3A_416 = arith.constant 0 : i32
    %dma_wait3A_417 = arith.constant 0 : i32
    %dma_wait3A_418 = tpu.memref_slice %arg4[%dma_wait3A_417] : memref<4x!tpu.dma_semaphore, #tpu.memory_space<semaphore_mem>> -> memref<1x!tpu.dma_semaphore, #tpu.memory_space<semaphore_mem>>
    %dma_wait3A_419 = tpu.memref_squeeze %dma_wait3A_418 : memref<1x!tpu.dma_semaphore, #tpu.memory_space<semaphore_mem>> -> memref<!tpu.dma_semaphore, #tpu.memory_space<semaphore_mem>>
    %dma_wait3A_420 = arith.constant 50176 : i32
    %dma_wait3A_421 = arith.constant 0 : i32
    %dma_wait3A_422 = tpu.memref_slice %arg1[%dma_wait3A_420, %dma_wait3A_421] : memref<100352x256xf32, #tpu.memory_space<any>> -> memref<6272x256xf32, #tpu.memory_space<any>>
    %dma_wait3A_423 = arith.constant 0 : i32
    %dma_wait3A_424 = arith.constant 0 : i32
    %dma_wait3A_425 = tpu.memref_slice %arg2[%dma_wait3A_416, %dma_wait3A_423, %dma_wait3A_424] : memref<4x6272x256xf32, #tpu.memory_space<vmem>> -> memref<1x6272x256xf32, #tpu.memory_space<vmem>>
    %dma_wait3A_426 = tpu.memref_squeeze %dma_wait3A_425 : memref<1x6272x256xf32, #tpu.memory_space<vmem>> -> memref<6272x256xf32, #tpu.memory_space<vmem>>
    tpu.wait_dma2 semaphore(%dma_wait3A_419 : memref<!tpu.dma_semaphore, #tpu.memory_space<semaphore_mem>>) src(%dma_wait3A_426 : memref<6272x256xf32, #tpu.memory_space<vmem>>) dst(%dma_wait3A_422 : memref<6272x256xf32, #tpu.memory_space<any>>)
    %dma_wait3A_427 = arith.constant 1 : i32
    %dma_wait3A_428 = arith.constant 1 : i32
    %dma_wait3A_429 = tpu.memref_slice %arg4[%dma_wait3A_428] : memref<4x!tpu.dma_semaphore, #tpu.memory_space<semaphore_mem>> -> memref<1x!tpu.dma_semaphore, #tpu.memory_space<semaphore_mem>>
    %dma_wait3A_430 = tpu.memref_squeeze %dma_wait3A_429 : memref<1x!tpu.dma_semaphore, #tpu.memory_space<semaphore_mem>> -> memref<!tpu.dma_semaphore, #tpu.memory_space<semaphore_mem>>
    %dma_wait3A_431 = arith.constant 56448 : i32
    %dma_wait3A_432 = arith.constant 0 : i32
    %dma_wait3A_433 = tpu.memref_slice %arg1[%dma_wait3A_431, %dma_wait3A_432] : memref<100352x256xf32, #tpu.memory_space<any>> -> memref<6272x256xf32, #tpu.memory_space<any>>
    %dma_wait3A_434 = arith.constant 0 : i32
    %dma_wait3A_435 = arith.constant 0 : i32
    %dma_wait3A_436 = tpu.memref_slice %arg2[%dma_wait3A_427, %dma_wait3A_434, %dma_wait3A_435] : memref<4x6272x256xf32, #tpu.memory_space<vmem>> -> memref<1x6272x256xf32, #tpu.memory_space<vmem>>
    %dma_wait3A_437 = tpu.memref_squeeze %dma_wait3A_436 : memref<1x6272x256xf32, #tpu.memory_space<vmem>> -> memref<6272x256xf32, #tpu.memory_space<vmem>>
    tpu.wait_dma2 semaphore(%dma_wait3A_430 : memref<!tpu.dma_semaphore, #tpu.memory_space<semaphore_mem>>) src(%dma_wait3A_437 : memref<6272x256xf32, #tpu.memory_space<vmem>>) dst(%dma_wait3A_433 : memref<6272x256xf32, #tpu.memory_space<any>>)
    return
  }
}

</mosaic_0001>

<sc_bundles>
// kernel: kernel.4.cloned.1.call-start
scs
__scs_entry_jumppad:
0x0: {  	(pc) =	sbr.rel $0x88, $3  }
0x1: {  	(tag) =	ssettag $0x0;
	lr =	simm.s32 $0x1  }
0x2: {  	[smem:$0x3FA0] =	sst lr;
	_ =	strace $0xD0000000  }
0x3: {  	_ = 	snop  }
0x4: {  	_ = 	snop  }
0x5: {  	_ = 	snop  }
0x6: {  	_ = 	snop  }
0x7: {  	_ = 	snop  }
__scs_overlays_trampoline_lowered:
0x8: {  	[smem:$0x3FAF] =	sst s0  }
0x9: {  	[smem:$0x3FB0] =	sst s1  }
0xa: {  	[smem:$0x3FB1] =	sst s2  }
0xb: {  	[smem:$0x3FB2] =	sst s3  }
0xc: {  	[smem:$0x3FB3] =	sst s4  }
0xd: {  	[smem:$0x3FB4] =	sst s5  }
0xe: {  	[smem:$0x3FB5] =	sst s6  }
0xf: {  	[smem:$0x3FB6] =	sst s7  }
0x10: {  	[smem:$0x3FB7] =	sst s8  }
0x11: {  	[smem:$0x3FB8] =	sst s9;
	s0 =	simm.s32 @!p0 $0x0  }
0x12: {  	s1 =	sld [smem:$0x3F9E];
	s0 =	simm.s32 @p0 $0x1  }
0x13: {  	[smem:$0x3FB9] =	sst s0;
	s0 =	simm.s32 @!p1 $0x0  }
0x14: {  	s2 =	sld [smem:$0x3F9D];
	s0 =	simm.s32 @p1 $0x1  }
0x15: {  	[smem:$0x3FBA] =	sst s0;
	s0 =	simm.s32 @!p2 $0x0  }
0x16: {  	s3 =	sld [smem:$0x3FDB];
	s0 =	simm.s32 @p2 $0x1  }
0x17: {  	s4 =	simm.s32 $0x1BF5;
	[smem:$0x3FBC] =	sst s0  }
0x18: {  	s0 =	sld [smem:$0x3F9F];
	_ =	swait.ge [sflag:s4], $0x0  }
0x19: {  	s7 =	sld [smem:$0x3FA0]  }
0x1a: {  	s8 =	sadd.s32 $0xFFFFE003, lr  }
0x1b: {  	s9 =	sadd.s32 $0xFFFFFEF7, lr;
	s5 =	simm.s32 $0xFFFFFFFF;
	p2 =	slt.u32 s8, $0xFFFFF086  }
0x1c: {  	p1 =	slt.u32 s9, $0xF7A;
	s5 =	simm.s32 @!p2 $0x0  }
0x1d: {  	s5 =	simm.s32 @p1 $0x1;
	p0 =	seq.s32 s7, s2  }
0x1e: {  	s7 =	smul.u32 @!p0 $0xF7A, s2;
	p2 =	seq.s32 @!p0 s5, $0x0  }
0x1f: {  	s9 =	smul.u32 $0xF7A, s1;
	s8 =	simm.s32 @!p0 $0x1BF5;
	p2 =	por !p2, p0  }
0x20: {  	[sflag:s8] =	ssyncset.s32 @!p0 $0xFFFFF086;
	s6 =	sadd.s32 @!p0 s3, s7;
	s7 =	simm.s32 @!p0 $0x108  }
0x21: {  	s3 =	sadd.s32 s3, s9;
	s6 =	sadd.s32 @!p0 $0x88, s6;
	s7 =	simm.s32 @p2 $0x1082  }
0x22: {  	[simem:s7], [sflag:s8] =	dma.local @!p0 [hbm:s6], $0xF7A  }
0x23: {  	s9 =	sor.u32 $0xD0000000, s2;
	s6 =	simm.s32 $0x108;
	_ =	swait.ge @!p0 [sflag:s8], $0x0  }
0x24: {  	s3 =	sadd.s32 $0x88, s3;
	s6 =	simm.s32 @!p1 $0x1082;
	[sflag:s4] =	ssyncset.s32 $0xFFFFF086  }
0x25: {  	[simem:s6], [sflag:s4] =	dma.local [hbm:s3], $0xF7A  }
0x26: {  	[smem:$0x3FA0] =	sst s1;
	(tag) =	ssettag s2;
	_ =	strace s9  }
0x27: {  	s1 =	sld [smem:$0x3FB0]  }
0x28: {  	s2 =	sld [smem:$0x3FB1]  }
0x29: {  	s4 =	sld [smem:$0x3FB3]  }
0x2a: {  	p0 =	seq.s32 s5, $0x0;
	s5 =	sld [smem:$0x3FB4]  }
0x2b: {  	s6 =	sld [smem:$0x3FB5]  }
0x2c: {  	s7 =	sld [smem:$0x3FB6]  }
0x2d: {  	s3 =	simm.s32 $0x108;
	s8 =	sld [smem:$0x3FB7]  }
0x2e: {  	s3 =	simm.s32 @!p0 $0x1082;
	s9 =	sld [smem:$0x3FB8]  }
0x2f: {  	lr =	sadd.s32 s0, s3;
	s0 =	sld [smem:$0x3FAF]  }
0x30: {  	s3 =	sld [smem:$0x3FB2]  }
0x31: {  	[smem:$0x3FBB] =	sst s10  }
0x32: {  	s10 =	sld [smem:$0x3FB9];
	_ =	sdelay $0x3  }
0x33: {  	p0 =	seq.s32 s10, $0x1;
	s10 =	sld [smem:$0x3FBB];
	_ =	sdelay $0x3  }
0x34: {  	[smem:$0x3FBB] =	sst s10  }
0x35: {  	s10 =	sld [smem:$0x3FBA];
	_ =	sdelay $0x3  }
0x36: {  	p1 =	seq.s32 s10, $0x1;
	s10 =	sld [smem:$0x3FBB];
	_ =	sdelay $0x3  }
0x37: {  	[smem:$0x3FBB] =	sst s10  }
0x38: {  	s10 =	sld [smem:$0x3FBC]  }
0x39: {  	_ = 	snop;
	(pc) =	sbr.ind lr, $3  }
0x3a: {  	_ = 	snop  }
0x3b: {  	_ = 	snop  }
0x3c: {  	p2 =	seq.s32 s10, $0x1;
	s10 =	sld [smem:$0x3FBB]  }
0x3d: {  	_ =	shalt  }
0x3e: {  	_ =	shalt  }
0x3f: {  	_ =	shalt  }
0x40: {  	_ =	shalt  }
0x41: {  	_ =	shalt  }
0x42: {  	_ =	shalt  }
0x43: {  	_ =	shalt  }
0x44: {  	_ =	shalt  }
0x45: {  	_ =	shalt  }
0x46: {  	_ =	shalt  }
0x47: {  	_ =	shalt  }
0x48: {  	_ =	shalt  }
0x49: {  	_ =	shalt  }
0x4a: {  	_ =	shalt  }
0x4b: {  	_ =	shalt  }
0x4c: {  	_ =	shalt  }
0x4d: {  	_ =	shalt  }
0x4e: {  	_ =	shalt  }
0x4f: {  	_ =	shalt  }
0x50: {  	_ =	shalt  }
0x51: {  	_ =	shalt  }
0x52: {  	_ =	shalt  }
0x53: {  	_ =	shalt  }
0x54: {  	_ =	shalt  }
0x55: {  	_ =	shalt  }
0x56: {  	_ =	shalt  }
0x57: {  	_ =	shalt  }
0x58: {  	_ =	shalt  }
0x59: {  	_ =	shalt  }
0x5a: {  	_ =	shalt  }
0x5b: {  	_ =	shalt  }
0x5c: {  	_ =	shalt  }
0x5d: {  	_ =	shalt  }
0x5e: {  	_ =	shalt  }
0x5f: {  	_ =	shalt  }
0x60: {  	_ =	shalt  }
0x61: {  	_ =	shalt  }
0x62: {  	_ =	shalt  }
0x63: {  	_ =	shalt  }
0x64: {  	_ =	shalt  }
0x65: {  	_ =	shalt  }
0x66: {  	_ =	shalt  }
0x67: {  	_ =	shalt  }
0x68: {  	_ =	shalt  }
0x69: {  	_ =	shalt  }
0x6a: {  	_ =	shalt  }
0x6b: {  	_ =	shalt  }
0x6c: {  	_ =	shalt  }
0x6d: {  	_ =	shalt  }
0x6e: {  	_ =	shalt  }
0x6f: {  	_ =	shalt  }
0x70: {  	_ =	shalt  }
0x71: {  	_ =	shalt  }
0x72: {  	_ =	shalt  }
0x73: {  	_ =	shalt  }
0x74: {  	_ =	shalt  }
0x75: {  	_ =	shalt  }
0x76: {  	_ =	shalt  }
0x77: {  	_ =	shalt  }
0x78: {  	_ =	shalt  }
0x79: {  	_ =	shalt  }
0x7a: {  	_ =	shalt  }
0x7b: {  	_ =	shalt  }
0x7c: {  	_ =	shalt  }
0x7d: {  	_ =	shalt  }
0x7e: {  	_ =	shalt  }
0x7f: {  	_ =	shalt  }
0x80: {  	_ =	shalt  }
0x81: {  	_ =	shalt  }
0x82: {  	_ =	shalt  }
0x83: {  	_ =	shalt  }
0x84: {  	_ =	shalt  }
0x85: {  	_ =	shalt  }
0x86: {  	_ =	shalt  }
0x87: {  	_ =	shalt  }
.Lfunc_end0:
.L_simem_size_0:
called_computation_lowered:
.L_overlay_start_0:
0x88: {  	s2 =	sld [smem:$0x3FD9]  }
0x89: {  	s3 =	sld [smem:$0x3FFE];
	_ =	sdelay $0x1  }
0x8a: {  	s1 =	srdreg.scid  }
0x8b: {  	s0 =	sand.u32 $0x1, s1  }
0x8c: {  	s15 =	sshll.u32 s0, $0xA;
	s2 =	sadd.s32 s3, s2  }
0x8d: {  	s2 =	sadd.s32 s2, s15  }
0x8e: {  	[smem:$0x3FC7] =	sst s2  }
0x8f: {  	_ = 	snop  }
0x90: {  	s2 =	sld [smem:$0x3FD0];
	_ =	sdelay $0x2  }
0x91: {  	s4 =	simm.s32 $0xA;
	s5 =	simm.s32 $0x10;
	s16 =	sld [smem:$0x3FC9]  }
0x92: {  	[smem:s5], [sflag:s4] =	dma.local [hbm:s2], $0x1  }
0x93: {  	_ =	swait.eq [sflag:s4], $0x1  }
0x94: {  	[sflag:s4] =	ssyncset.done $0x0  }
0x95: {  	[sflag:s4] =	ssyncadd.s32 $0xFFFFFFFF  }
0x96: {  	s17 =	sld [smem:$0x11];
	(tm) =	ssettm $0x1  }
0x97: {  	s18 =	sld [smem:$0x3FFB];
	_ =	sdelay $0x3  }
0x98: {  	_ =	strace s18  }
0x99: {  	s4 =	sld [smem:$0x3FFC];
	_ =	sdelay $0x3  }
0x9a: {  	_ =	strace s4  }
0x9b: {  	s4 =	sld [smem:$0x3FFD];
	_ =	sdelay $0x3  }
0x9c: {  	_ =	strace s4  }
0x9d: {  	_ =	strace $0x8FFFFFFF  }
0x9e: {  	s19 =	sld [smem:$0x3FDB];
	_ =	sdelay $0x1  }
0x9f: {  	s20 =	simm.s32 $_scs_section_size  }
0xa0: {  	s6 =	simm.s32 $_size__tile_overlayer_lowered;
	s7 =	simm.s32 $_tile_overlayer_lowered  }
0xa1: {  	s23 =	simm.s32 $0x1BFF;
	s22 =	sshll.u32 s7, $0x1;
	s4 =	sadd.s32 s20, s19  }
0xa2: {  	s8 =	simm.s32 $0x0;
	s21 =	sshll.u32 s6, $0x1;
	s6 =	sadd.s32 s22, s4  }
0xa3: {  	[timem:s8], [sflag:s23] =	dma.local [hbm:s6], s21  }
0xa4: {  	_ =	swait.ge [sflag:s23], s21  }
0xa5: {  	s5 =	ssub.s32 $0x0, s21;
	[sflag:s23] =	ssyncset.done $0x0  }
0xa6: {  	[sflag:s23] =	ssyncadd.s32 s5;
	_ =	sdelay $0x1  }
0xa7: {  	s24 =	simm.s32 $0x1B8B  }
0xa8: {  	_ =	swait.ge [sflag:s24], $0x1  }
0xa9: {  	[sflag:s24] =	ssyncset.done $0x0  }
0xaa: {  	s25 =	simm.s32 $0x1B8E;
	[sflag:s24] =	ssyncadd.s32 $0xFFFFFFFF  }
0xab: {  	s26 =	simm.s32 $execute0_lowered;
	[smem:$0x3FD2] =	sst s25  }
0xac: {  	s5 =	sshll.u32 s26, $0x1;
	_ =	strace $0x80000046;
	[dreg:$0x1] =	wrdreg $0xFFFFFFFF  }
0xad: {  	s28 =	simm.s32 $_size_execute0_lowered;
	s4 =	sadd.s32 s4, s5;
	[dreg:$0x0] =	wrdreg $0x0  }
0xae: {  	s5 =	sshll.u32 s28, $0x1;
	[dreg:$0x2] =	wrdreg s4  }
0xaf: {  	[dreg:$0x3] =	wrdreg s5  }
0xb0: {  	[dreg:$0x4] =	wrdreg $0xC0  }
0xb1: {  	_ =	task [dreg:s8], $0x5FFFF  }
0xb2: {  	[dreg:$0x1] =	wrdreg $0xFFFFFFFF  }
0xb3: {  	[dreg:$0x0] =	wrdreg $0x60  }
0xb4: {  	[dreg:$0x2] =	wrdreg s16  }
0xb5: {  	[dreg:$0x3] =	wrdreg s17  }
0xb6: {  	[dreg:$0x4] =	wrdreg $0x9  }
0xb7: {  	_ =	task.clear_ibuf [dreg:s8], $0x5FFFF;
	_ =	strace $0x90000046  }
0xb8: {  	s29 =	simm.s32 $0x9;
	_ =	strace $0x80000048  }
0xb9: {  	_ =	swait.ge [sflag:s29], $0x1  }
0xba: {  	[sflag:s29] =	ssyncadd.s32 $0xFFFFFFFF  }
0xbb: {  	_ =	strace $0x90000048  }
0xbc: {  	_ =	sfence  }
0xbd: {  	s30 =	sld [smem:$0x0];
	_ =	sdelay $0x2  }
0xbe: {  	s31 =	sshll.u32 s1, $0xD;
	s1 =	sshrl.u32 s1, $0x2  }
0xbf: {  	s3 =	sand.u32 $0x4000, s31;
	s1 =	sadd.s32 s1, s30  }
0xc0: {  	s0 =	sor.u32 s3, s0;
	s1 =	sshll.u32 s1, $0x11  }
0xc1: {  	s0 =	sor.u32 s1, s0  }
0xc2: {  	s0 =	sadd.s32 $0x8F2B, s0  }
0xc3: {  	[sflag:s0] =	ssyncadd.remote.s32 $0x1  }
0xc4: {  	_ =	sfence.sel $0xFFFF  }
0xc5: {  	[dreg:$0x0] =	wrdreg $0xFFFFFFFF;
	(pc) =	sbr.abs _section_cstart, $3  }
0xc6: {  	[dreg:$0x1] =	wrdreg $0xFFFFFFFF  }
0xc7: {  	_ =	task.clear_ibuf [dreg:s8], $0x2FFFF;
	_ =	strace $0x9FFFFFFF  }
0xc8: {  	(tm) =	ssettm $0x7FFFFFFF  }
0xc9: {  	_ =	shalt  }
tec
execute0_lowered:
.L_overlay_start_1:
0x0: {  	(tag) =	ssettag $0x1  }
0x1: {  	s1 =	srdreg.scid;
	s0 =	stileid.u32  }
0x2: {  	s21 =	sand.u32 $0x1, s1;
	s29 =	sshll.u32 s0, $0x1  }
0x3: {  	s1 =	sor.u32 s21, s29  }
0x4: {  	s19 =	rddreg [dreg:$0x0];
	s3 =	smul.u32 $0x49800, s1  }
0x5: {  	s22 =	rddreg [dreg:$0x1];
	s2 =	simm.s32 $0x0  }
0x6: {  	[smem:$0x7FF] =	sst s2;
	s20 =	sshrl.u32 s3, $0x3  }
0x7: {  	s1 =	rddreg [dreg:$0x2];
	s7 =	sadd.s32 $0x1EA000, s20  }
0x8: {  	_ =	strace $0x80000047;
	s11 =	sadd.s32 $0x1EB500, s20;
	s3 =	sadd.s32 s19, s7  }
0x9: {  	[tilespmem:s2], [sflag:$0x1] =	stream.linear.gather [hbm4b:s3+s2], $0xA800, $0x38;
	[tilespmem:$0x15000] =	vst v63  }
0xa: {  	s5 =	simm.s32 $0xA800;
	s6 =	simm.s32 $0x1;
	s4 =	sadd.s32 s19, s11  }
0xb: {  	[tilespmem:s5], [sflag:$0x2] =	stream.linear.gather [hbm4b:s4+s2], $0xA800, $0x38;
	[tilespmem:$0x15000] =	vst v63  }
0xc: {  	_ =	swait.ge [sflag:s6], $0xA800  }
0xd: {  	[sflag:s6] =	ssyncset.done $0x0  }
0xe: {  	s8 =	simm.s32 $0x3;
	s7 =	sadd.s32 s22, s7;
	[sflag:s6] =	ssyncadd.s32 $0xFFFF5800  }
0xf: {  	[hbm4b:s7+s2] =	stream.linear.scatter [tilespmem:s2], [sflag:$0x3], $0xA800, $0x38;
	[tilespmem:$0x15000] =	vst v63  }
0x10: {  	_ =	swait.ge [sflag:s8], $0xA800  }
0x11: {  	s14 =	sadd.s32 $0x1ECA00, s20;
	[sflag:s8] =	ssyncset.done $0x0  }
0x12: {  	s10 =	simm.s32 $0x2;
	s9 =	sadd.s32 s19, s14;
	[sflag:s8] =	ssyncadd.s32 $0xFFFF5800  }
0x13: {  	[tilespmem:s2], [sflag:$0x1] =	stream.linear.gather [hbm4b:s9+s2], $0xA800, $0x38;
	[tilespmem:$0x15000] =	vst v63  }
0x14: {  	_ =	swait.ge [sflag:s10], $0xA800  }
0x15: {  	[sflag:s10] =	ssyncset.done $0x0  }
0x16: {  	s12 =	sadd.s32 s22, s11;
	s11 =	simm.s32 $0x4;
	[sflag:s10] =	ssyncadd.s32 $0xFFFF5800  }
0x17: {  	[hbm4b:s12+s2] =	stream.linear.scatter [tilespmem:s5], [sflag:$0x4], $0xA800, $0x38;
	[tilespmem:$0x15000] =	vst v63  }
0x18: {  	_ =	swait.ge [sflag:s11], $0xA800  }
0x19: {  	s16 =	sadd.s32 $0x1EDF00, s20;
	[sflag:s11] =	ssyncset.done $0x0  }
0x1a: {  	s13 =	sadd.s32 s19, s16;
	[sflag:s11] =	ssyncadd.s32 $0xFFFF5800  }
0x1b: {  	[tilespmem:s5], [sflag:$0x2] =	stream.linear.gather [hbm4b:s13+s2], $0xA800, $0x38;
	[tilespmem:$0x15000] =	vst v63  }
0x1c: {  	_ =	swait.ge [sflag:s6], $0xA800  }
0x1d: {  	[sflag:s6] =	ssyncset.done $0x0  }
0x1e: {  	s14 =	sadd.s32 s22, s14;
	[sflag:s6] =	ssyncadd.s32 $0xFFFF5800  }
0x1f: {  	[hbm4b:s14+s2] =	stream.linear.scatter [tilespmem:s2], [sflag:$0x3], $0xA800, $0x38;
	[tilespmem:$0x15000] =	vst v63  }
0x20: {  	_ =	swait.ge [sflag:s8], $0xA800  }
0x21: {  	s18 =	sadd.s32 $0x1EF400, s20;
	[sflag:s8] =	ssyncset.done $0x0  }
0x22: {  	s15 =	sadd.s32 s19, s18;
	[sflag:s8] =	ssyncadd.s32 $0xFFFF5800  }
0x23: {  	[tilespmem:s2], [sflag:$0x1] =	stream.linear.gather [hbm4b:s15+s2], $0xA800, $0x38;
	[tilespmem:$0x15000] =	vst v63  }
0x24: {  	_ =	swait.ge [sflag:s10], $0xA800  }
0x25: {  	[sflag:s10] =	ssyncset.done $0x0  }
0x26: {  	s16 =	sadd.s32 s22, s16;
	[sflag:s10] =	ssyncadd.s32 $0xFFFF5800  }
0x27: {  	[hbm4b:s16+s2] =	stream.linear.scatter [tilespmem:s5], [sflag:$0x4], $0xA800, $0x38;
	[tilespmem:$0x15000] =	vst v63  }
0x28: {  	_ =	swait.ge [sflag:s11], $0xA800  }
0x29: {  	s23 =	sadd.s32 $0x1F0900, s20;
	[sflag:s11] =	ssyncset.done $0x0  }
0x2a: {  	s17 =	sadd.s32 s19, s23;
	[sflag:s11] =	ssyncadd.s32 $0xFFFF5800  }
0x2b: {  	[tilespmem:s5], [sflag:$0x2] =	stream.linear.gather [hbm4b:s17+s2], $0xA800, $0x38;
	[tilespmem:$0x15000] =	vst v63  }
0x2c: {  	_ =	swait.ge [sflag:s6], $0xA800  }
0x2d: {  	[sflag:s6] =	ssyncset.done $0x0  }
0x2e: {  	s18 =	sadd.s32 s22, s18;
	[sflag:s6] =	ssyncadd.s32 $0xFFFF5800  }
0x2f: {  	[hbm4b:s18+s2] =	stream.linear.scatter [tilespmem:s2], [sflag:$0x3], $0xA800, $0x38;
	[tilespmem:$0x15000] =	vst v63  }
0x30: {  	_ =	swait.ge [sflag:s8], $0xA800  }
0x31: {  	s24 =	sadd.s32 $0x1F1E00, s20;
	[sflag:s8] =	ssyncset.done $0x0  }
0x32: {  	s19 =	sadd.s32 s19, s24;
	[sflag:s8] =	ssyncadd.s32 $0xFFFF5800  }
0x33: {  	[tilespmem:s2], [sflag:$0x1] =	stream.linear.gather [hbm4b:s19+s2], $0xA800, $0x38;
	[tilespmem:$0x15000] =	vst v63  }
0x34: {  	_ =	swait.ge [sflag:s10], $0xA800  }
0x35: {  	s30 =	ssub.s32 $0x2, s21;
	[sflag:s10] =	ssyncset.done $0x0  }
0x36: {  	s31 =	sshrl.u32 s30, $0x1;
	s20 =	sadd.s32 s22, s23;
	[sflag:s10] =	ssyncadd.s32 $0xFFFF5800  }
0x37: {  	[hbm4b:s20+s2] =	stream.linear.scatter [tilespmem:s5], [sflag:$0x4], $0xA800, $0x38;
	[tilespmem:$0x15000] =	vst v63  }
0x38: {  	s21 =	sadd.s32 s22, s24;
	s22 =	ssub.s32 s30, s31;
	_ =	swait.ge [sflag:s6], $0xA800  }
0x39: {  	s22 =	smax.u32 s22, $0x1;
	[sflag:s6] =	ssyncset.done $0x0  }
0x3a: {  	p0 =	sne.s32 s22, $0x1;
	[sflag:s6] =	ssyncadd.s32 $0xFFFF5800  }
0x3b: {  	[hbm4b:s21+s2] =	stream.linear.scatter [tilespmem:s2], [sflag:$0x3], $0xA800, $0x38;
	[tilespmem:$0x15000] =	vst v63  }
.Ltmp0:
0x3c: {  	_ =	swait.ge [sflag:s8], $0xA800;
	(pc) =	sbr.rel @!p0 .LBB2_2-.Ltmp0, $4  }
0x3d: {  	[sflag:s8] =	ssyncset.done $0x0  }
0x3e: {  	[sflag:s8] =	ssyncadd.s32 $0xFFFF5800  }
0x3f: {  	_ =	swait.ge [sflag:s11], $0xA800  }
0x40: {  	s22 =	sadd.s32 $0xFFFFFFFF, s22;
	[sflag:s11] =	ssyncset.done $0x0  }
.LBB2_1:
0x41: {  	p0 =	sne.s32 s22, $0x1;
	s22 =	sadd.s32 $0xFFFFFFFF, s22;
	[sflag:s11] =	ssyncadd.s32 $0xFFFF5800  }
0x42: {  	[tilespmem:s2], [sflag:$0x1] =	stream.linear.gather [hbm4b:s3+s2], $0xA800, $0x38;
	[tilespmem:$0x15000] =	vst v63  }
0x43: {  	_ = 	snop  }
0x44: {  	[tilespmem:s5], [sflag:$0x2] =	stream.linear.gather [hbm4b:s4+s2], $0xA800, $0x38;
	[tilespmem:$0x15000] =	vst v63  }
0x45: {  	_ =	swait.ge [sflag:s6], $0xA800  }
0x46: {  	[sflag:s6] =	ssyncset.done $0x0  }
0x47: {  	[sflag:s6] =	ssyncadd.s32 $0xFFFF5800  }
0x48: {  	[hbm4b:s7+s2] =	stream.linear.scatter [tilespmem:s2], [sflag:$0x3], $0xA800, $0x38;
	[tilespmem:$0x15000] =	vst v63  }
0x49: {  	_ =	swait.ge [sflag:s8], $0xA800  }
0x4a: {  	[sflag:s8] =	ssyncset.done $0x0  }
0x4b: {  	[sflag:s8] =	ssyncadd.s32 $0xFFFF5800  }
0x4c: {  	[tilespmem:s2], [sflag:$0x1] =	stream.linear.gather [hbm4b:s9+s2], $0xA800, $0x38;
	[tilespmem:$0x15000] =	vst v63  }
0x4d: {  	_ =	swait.ge [sflag:s10], $0xA800  }
0x4e: {  	[sflag:s10] =	ssyncset.done $0x0  }
0x4f: {  	[sflag:s10] =	ssyncadd.s32 $0xFFFF5800  }
0x50: {  	[hbm4b:s12+s2] =	stream.linear.scatter [tilespmem:s5], [sflag:$0x4], $0xA800, $0x38;
	[tilespmem:$0x15000] =	vst v63  }
0x51: {  	_ =	swait.ge [sflag:s11], $0xA800  }
0x52: {  	[sflag:s11] =	ssyncset.done $0x0  }
0x53: {  	[sflag:s11] =	ssyncadd.s32 $0xFFFF5800  }
0x54: {  	[tilespmem:s5], [sflag:$0x2] =	stream.linear.gather [hbm4b:s13+s2], $0xA800, $0x38;
	[tilespmem:$0x15000] =	vst v63  }
0x55: {  	_ =	swait.ge [sflag:s6], $0xA800  }
0x56: {  	[sflag:s6] =	ssyncset.done $0x0  }
0x57: {  	[sflag:s6] =	ssyncadd.s32 $0xFFFF5800  }
0x58: {  	[hbm4b:s14+s2] =	stream.linear.scatter [tilespmem:s2], [sflag:$0x3], $0xA800, $0x38;
	[tilespmem:$0x15000] =	vst v63  }
0x59: {  	_ =	swait.ge [sflag:s8], $0xA800  }
0x5a: {  	[sflag:s8] =	ssyncset.done $0x0  }
0x5b: {  	[sflag:s8] =	ssyncadd.s32 $0xFFFF5800  }
0x5c: {  	[tilespmem:s2], [sflag:$0x1] =	stream.linear.gather [hbm4b:s15+s2], $0xA800, $0x38;
	[tilespmem:$0x15000] =	vst v63  }
0x5d: {  	_ =	swait.ge [sflag:s10], $0xA800  }
0x5e: {  	[sflag:s10] =	ssyncset.done $0x0  }
0x5f: {  	[sflag:s10] =	ssyncadd.s32 $0xFFFF5800  }
0x60: {  	[hbm4b:s16+s2] =	stream.linear.scatter [tilespmem:s5], [sflag:$0x4], $0xA800, $0x38;
	[tilespmem:$0x15000] =	vst v63  }
0x61: {  	_ =	swait.ge [sflag:s11], $0xA800  }
0x62: {  	[sflag:s11] =	ssyncset.done $0x0  }
0x63: {  	[sflag:s11] =	ssyncadd.s32 $0xFFFF5800  }
0x64: {  	[tilespmem:s5], [sflag:$0x2] =	stream.linear.gather [hbm4b:s17+s2], $0xA800, $0x38;
	[tilespmem:$0x15000] =	vst v63  }
0x65: {  	_ =	swait.ge [sflag:s6], $0xA800  }
0x66: {  	[sflag:s6] =	ssyncset.done $0x0  }
0x67: {  	[sflag:s6] =	ssyncadd.s32 $0xFFFF5800  }
0x68: {  	[hbm4b:s18+s2] =	stream.linear.scatter [tilespmem:s2], [sflag:$0x3], $0xA800, $0x38;
	[tilespmem:$0x15000] =	vst v63  }
0x69: {  	_ =	swait.ge [sflag:s8], $0xA800  }
0x6a: {  	[sflag:s8] =	ssyncset.done $0x0  }
0x6b: {  	[sflag:s8] =	ssyncadd.s32 $0xFFFF5800  }
0x6c: {  	[tilespmem:s2], [sflag:$0x1] =	stream.linear.gather [hbm4b:s19+s2], $0xA800, $0x38;
	[tilespmem:$0x15000] =	vst v63  }
0x6d: {  	_ =	swait.ge [sflag:s10], $0xA800  }
0x6e: {  	[sflag:s10] =	ssyncset.done $0x0  }
0x6f: {  	[sflag:s10] =	ssyncadd.s32 $0xFFFF5800  }
0x70: {  	[hbm4b:s20+s2] =	stream.linear.scatter [tilespmem:s5], [sflag:$0x4], $0xA800, $0x38;
	[tilespmem:$0x15000] =	vst v63  }
0x71: {  	_ =	swait.ge [sflag:s6], $0xA800  }
0x72: {  	[sflag:s6] =	ssyncset.done $0x0  }
0x73: {  	[sflag:s6] =	ssyncadd.s32 $0xFFFF5800  }
0x74: {  	[hbm4b:s21+s2] =	stream.linear.scatter [tilespmem:s2], [sflag:$0x3], $0xA800, $0x38;
	[tilespmem:$0x15000] =	vst v63  }
.Ltmp1:
0x75: {  	_ =	swait.ge [sflag:s8], $0xA800;
	(pc) =	sbr.rel @p0 .LBB2_1-.Ltmp1, $4  }
0x76: {  	[sflag:s8] =	ssyncset.done $0x0  }
0x77: {  	[sflag:s8] =	ssyncadd.s32 $0xFFFF5800  }
0x78: {  	_ =	swait.ge [sflag:s11], $0xA800  }
0x79: {  	[sflag:s11] =	ssyncset.done $0x0  }
.LBB2_2:
0x7a: {  	[sflag:s11] =	ssyncadd.s32 $0xFFFF5800  }
0x7b: {  	_ =	sfence.sel $0x180000  }
0x7c: {  	[bflag:$0x0] =	sbarrier.arrive $0xFFFF  }
0x7d: {  	p0 =	sne.s32 s0, $0x0;
	_ =	strace $0x90000047  }
0x7e: {  	s0 =	sadd.s32 @!p0 $0x100000, s1;
	[bflag:$0x2] =	sbarrier.arrive $0xFFFF  }
0x7f: {  	[sflag:s0] =	ssyncadd.tile.s32 @!p0 $0x1;
	_ =	shalt  }
.Lfunc_end2:
_tile_overlayer_lowered:
.L_overlay_start_2:
0x80: {  	(tag) =	ssettag $0x2  }
0x81: {  	s0 =	rddreg [dreg:$0x0];
	s2 =	stileid.u32  }
0x82: {  	s1 =	rddreg [dreg:$0x1];
	p0 =	sne.s32 s2, $0x0  }
0x83: {  	s3 =	rddreg [dreg:$0x2];
	[bflag:$0x3] =	sbarrier.arrive $0xFFFF;
	s2 =	simm.s32 @!p0 $0x1C05  }
0x84: {  	[timem:s3], [sflag:s2] =	dma.local @!p0 [hbm:s0], s1  }
0x85: {  	s0 =	simm.s32 @!p0 $0x5  }
0x86: {  	_ =	swait.ge @!p0 [sflag:s0], s1  }
0x87: {  	s1 =	ssub.s32 @!p0 $0x0, s1;
	[sflag:s0] =	ssyncset.done @!p0 $0x0  }
0x88: {  	[sflag:s0] =	ssyncadd.s32 @!p0 s1  }
0x89: {  	[bflag:$0x3] =	sbarrier.arrive $0xFFFF  }
0x8a: {  	_ =	shalt  }

</sc_bundles>
